<compile_context>
chip_gen: v7x
topology: tpu7x:2x2x1
jax: 0.10.2.dev20260603
libtpu: 0.0.44.dev20260713+nightly
codegen_flags: <defaults>
</compile_context>

<pallas_src>
import jax
import jax.numpy as jnp
from jax import lax
from jax.experimental import pallas as pl
from jax.experimental.pallas import tpu as pltpu
from jax.experimental.pallas import tpu_sc as plsc

NC, NS, L = 2, 16, 16
NW = NC * NS

B, S, D = 4, 2048, 4096
PW = S // NW
P = 8
NCHUNK = PW // P
CH = D // 4
NP = NCHUNK * 4
T = NP * B


def _sc_body(x_hbm, pos_hbm, idx_hbm, out_hbm, idx_v, pos_v, xio_v,
             sem_g, sem_in, sem_out):
    wid = lax.axis_index("s") * NC + lax.axis_index("c")
    base = wid * PW

    pltpu.sync_copy(idx_hbm.at[pl.ds(base, PW)], idx_v)

    def gather(p):
        c = p // 4
        h = p - c * 4
        return pltpu.make_async_copy(
            pos_hbm.at[idx_v.at[pl.ds(c * P, P)], pl.ds(h * CH, CH)],
            pos_v.at[lax.rem(p, 2)], sem_g)

    def split(t):
        p = t // B
        b = t - p * B
        c = p // 4
        h = p - c * 4
        return p, b, c, h

    def in_copy(t):
        p, b, c, h = split(t)
        return pltpu.make_async_copy(
            x_hbm.at[b, pl.ds(base + c * P, P), pl.ds(h * CH, CH)],
            xio_v.at[lax.rem(t, 8)], sem_in)

    def out_copy(t):
        p, b, c, h = split(t)
        return pltpu.make_async_copy(
            xio_v.at[lax.rem(t, 8)],
            out_hbm.at[b, pl.ds(base + c * P, P), pl.ds(h * CH, CH)],
            sem_out)

    gather(0).start()
    in_copy(0).start()
    in_copy(1).start()
    in_copy(2).start()
    in_copy(3).start()

    def step(t, carry):
        p, b, c, h = split(t)
        tb = lax.rem(t, 8)
        pb = lax.rem(p, 2)

        @pl.when(b == 0)
        def _():
            gather(p).wait()

        @pl.when(jnp.logical_and(b == 0, p + 1 < NP))
        def _():
            gather(p + 1).start()

        @pl.when(t >= 4)
        def _():
            out_copy(t - 4).wait()

        @pl.when(t + 4 < T)
        def _():
            in_copy(t + 4).start()

        in_copy(t).wait()

        @plsc.parallel_loop(0, CH // L, unroll=8)
        def add_vecs(i):
            s = pl.ds(i * L, L)
            for r in range(P):
                plsc.addupdate(xio_v.at[tb, r, s], pos_v[pb, r, s])

        out_copy(t).start()

        return carry

    lax.fori_loop(0, T, step, 0)

    out_copy(T - 4).wait()
    out_copy(T - 3).wait()
    out_copy(T - 2).wait()
    out_copy(T - 1).wait()


def kernel(x, pos_emb, block_indices):
    idx = block_indices.astype(jnp.int32)
    k = pl.kernel(
        _sc_body,
        out_type=jax.ShapeDtypeStruct((B, S, D), jnp.float32),
        mesh=plsc.VectorSubcoreMesh(
            core_axis_name="c", subcore_axis_name="s",
            num_cores=NC, num_subcores=NS),
        scratch_types=[
            pltpu.VMEM((PW,), jnp.int32),
            pltpu.VMEM((2, P, CH), jnp.float32),
            pltpu.VMEM((8, P, CH), jnp.float32),
            pltpu.SemaphoreType.DMA,
            pltpu.SemaphoreType.DMA,
            pltpu.SemaphoreType.DMA,
        ],
    )
    return k(x, pos_emb, idx)

# --- scband reference (transcript-rebuilt; emitter-appended) ---
"""Pipeline reference for scband-learnable-absolute-positional-embedding-4724464025788 (READ-ONLY COPY).

The authoritative reference and input builder live on the scoring server;
editing this copy changes nothing except your own understanding.
"""

import jax, jax.numpy as jnp
import numpy as np

BLOCK_SIZE = 2048
D_MODEL = 4096

def setup_inputs(seed: int = 0) -> dict:
    key = jax.random.key(seed)
    k_x, k_emb = jax.random.split(key)
    x = jax.random.normal(k_x, (4, BLOCK_SIZE, D_MODEL), dtype=jnp.float32)
    # nn.Embedding default init: N(0, 1)
    pos_emb = jax.random.normal(k_emb, (BLOCK_SIZE, D_MODEL), dtype=jnp.float32)
    block_indices = jnp.arange(BLOCK_SIZE, dtype=jnp.int64 if jax.config.jax_enable_x64 else jnp.int32)
    return {"x": x, "pos_emb": pos_emb, "block_indices": block_indices}

def reference(x, pos_emb, block_indices):
    # gather positional embeddings for every position, then broadcast-add to x
    pos = jnp.take(pos_emb, block_indices, axis=0)  # [block_size, d_model]
    return x + pos

if __name__ == "__main__":
    import jax
    _d = setup_inputs()
    print(jax.jit(kernel)(*tuple(_d.values())))

</pallas_src>

<mosaic_0001>
#map = affine_map<(d0, d1) -> (0, 0, 0)>
#map1 = affine_map<(d0, d1) -> (0, 0)>
#map2 = affine_map<(d0, d1) -> (0)>
module attributes {stable_mosaic.version = 14 : i64} {
  func.func @_sc_body(%arg0: i32, %arg1: i32, %arg2: memref<4x2048x4096xf32, #tpu.memory_space<hbm>>, %arg3: memref<2048x4096xf32, #tpu.memory_space<hbm>>, %arg4: memref<2048xi32, #tpu.memory_space<hbm>>, %arg5: memref<4x2048x4096xf32, #tpu.memory_space<hbm>>, %arg6: memref<64xi32, #tpu.memory_space<vmem>>, %arg7: memref<2x8x1024xf32, #tpu.memory_space<vmem>>, %arg8: memref<8x8x1024xf32, #tpu.memory_space<vmem>>, %arg9: memref<!tpu.dma_semaphore, #tpu.memory_space<semaphore_mem>>, %arg10: memref<!tpu.dma_semaphore, #tpu.memory_space<semaphore_mem>>, %arg11: memref<!tpu.dma_semaphore, #tpu.memory_space<semaphore_mem>>) attributes {dimension_semantics = [#tpu.dimension_semantics<core_parallel>, #tpu.dimension_semantics<subcore_parallel>], iteration_bounds = array<i64: 2, 16>, scalar_prefetch = 0 : i64, scratch_operands = 6 : i64, tpu.core_type = #tpu.core_type<sc_vector_subcore>, window_params = [{transform_indices = #map}, {transform_indices = #map1}, {transform_indices = #map2}, {transform_indices = #map}]} {
    %mul3A = arith.constant 2 : i32
    %mul3A_0 = arith.muli %arg1, %mul3A : i32
    %add3A = arith.addi %mul3A_0, %arg0 : i32
    %mul3A_1 = arith.constant 64 : i32
    %mul3A_2 = arith.muli %add3A, %mul3A_1 : i32
    "tpu.region"() ({
      %run_scoped3A = tpu.sem_alloc : memref<!tpu.dma_semaphore, #tpu.memory_space<semaphore_mem>>
      %dma_start3A_177 = tpu.memref_slice %arg4[%mul3A_2] : memref<2048xi32, #tpu.memory_space<hbm>> -> memref<64xi32, #tpu.memory_space<hbm>>
      %dma_start3A_178 = tpu.memref_slice %arg4[%mul3A_2] : memref<2048xi32, #tpu.memory_space<hbm>> -> memref<64xi32, #tpu.memory_space<hbm>>
      tpu.enqueue_dma source(%dma_start3A_178 : memref<64xi32, #tpu.memory_space<hbm>>) target(%arg6 : memref<64xi32, #tpu.memory_space<vmem>>) target_semaphore(%run_scoped3A : memref<!tpu.dma_semaphore, #tpu.memory_space<semaphore_mem>>)
      %dma_wait3A_179 = tpu.memref_slice %arg4[%mul3A_2] : memref<2048xi32, #tpu.memory_space<hbm>> -> memref<64xi32, #tpu.memory_space<hbm>>
      %dma_wait3A_180 = tpu.memref_slice %arg4[%mul3A_2] : memref<2048xi32, #tpu.memory_space<hbm>> -> memref<64xi32, #tpu.memory_space<hbm>>
      tpu.wait_dma2 semaphore(%run_scoped3A : memref<!tpu.dma_semaphore, #tpu.memory_space<semaphore_mem>>) src(%dma_wait3A_180 : memref<64xi32, #tpu.memory_space<hbm>>) dst(%arg6 : memref<64xi32, #tpu.memory_space<vmem>>)
      tpu.yield
    }) : () -> ()
    %rem3A = arith.constant 0 : i32
    %rem3A_3 = arith.constant 2 : i32
    %rem3A_4 = arith.remsi %rem3A, %rem3A_3 : i32
    %dma_start3A = arith.constant 0 : i32
    %dma_start3A_5 = arith.constant 0 : i32
    %dma_start3A_6 = tpu.memref_slice %arg7[%rem3A_4, %dma_start3A, %dma_start3A_5] : memref<2x8x1024xf32, #tpu.memory_space<vmem>> -> memref<1x8x1024xf32, #tpu.memory_space<vmem>>
    %dma_start3A_7 = tpu.memref_squeeze %dma_start3A_6 : memref<1x8x1024xf32, #tpu.memory_space<vmem>> -> memref<8x1024xf32, #tpu.memory_space<vmem>>
    %dma_start3A_8 = arith.constant 0 : i32
    %dma_start3A_9 = tpu.memref_slice %arg6[%dma_start3A_8] : memref<64xi32, #tpu.memory_space<vmem>> -> memref<8xi32, #tpu.memory_space<vmem>>
    %dma_start3A_10 = arith.constant 0 : i32
    %dma_start3A_11 = arith.constant 0 : i32
    %dma_start3A_12 = tpu.memref_slice %arg3[%dma_start3A_10, %dma_start3A_11] : memref<2048x4096xf32, #tpu.memory_space<hbm>> -> memref<2048x1024xf32, #tpu.memory_space<hbm>>
    tpu.enqueue_indirect_dma source(%dma_start3A_12 : memref<2048x1024xf32, #tpu.memory_space<hbm>>) target(%dma_start3A_7 : memref<8x1024xf32, #tpu.memory_space<vmem>>) offsets(%dma_start3A_9 : memref<8xi32, #tpu.memory_space<vmem>>) semaphore(%arg9 : memref<!tpu.dma_semaphore, #tpu.memory_space<semaphore_mem>>)
    %add3A_13 = arith.constant 0 : i32
    %add3A_14 = arith.addi %mul3A_2, %add3A_13 : i32
    %rem3A_15 = arith.constant 0 : i32
    %rem3A_16 = arith.constant 8 : i32
    %rem3A_17 = arith.remsi %rem3A_15, %rem3A_16 : i32
    %dma_start3A_18 = arith.constant 0 : i32
    %dma_start3A_19 = arith.constant 0 : i32
    %dma_start3A_20 = arith.constant 0 : i32
    %dma_start3A_21 = tpu.memref_slice %arg8[%rem3A_17, %dma_start3A_19, %dma_start3A_20] : memref<8x8x1024xf32, #tpu.memory_space<vmem>> -> memref<1x8x1024xf32, #tpu.memory_space<vmem>>
    %dma_start3A_22 = tpu.memref_squeeze %dma_start3A_21 : memref<1x8x1024xf32, #tpu.memory_space<vmem>> -> memref<8x1024xf32, #tpu.memory_space<vmem>>
    %dma_start3A_23 = arith.constant 0 : i32
    %dma_start3A_24 = tpu.memref_slice %arg2[%dma_start3A_18, %add3A_14, %dma_start3A_23] : memref<4x2048x4096xf32, #tpu.memory_space<hbm>> -> memref<1x8x1024xf32, #tpu.memory_space<hbm>>
    %dma_start3A_25 = tpu.memref_squeeze %dma_start3A_24 : memref<1x8x1024xf32, #tpu.memory_space<hbm>> -> memref<8x1024xf32, #tpu.memory_space<hbm>>
    %dma_start3A_26 = arith.constant 0 : i32
    %dma_start3A_27 = arith.constant 0 : i32
    %dma_start3A_28 = tpu.memref_slice %arg8[%rem3A_17, %dma_start3A_26, %dma_start3A_27] : memref<8x8x1024xf32, #tpu.memory_space<vmem>> -> memref<1x8x1024xf32, #tpu.memory_space<vmem>>
    %dma_start3A_29 = tpu.memref_squeeze %dma_start3A_28 : memref<1x8x1024xf32, #tpu.memory_space<vmem>> -> memref<8x1024xf32, #tpu.memory_space<vmem>>
    %dma_start3A_30 = arith.constant 0 : i32
    %dma_start3A_31 = tpu.memref_slice %arg2[%dma_start3A_18, %add3A_14, %dma_start3A_30] : memref<4x2048x4096xf32, #tpu.memory_space<hbm>> -> memref<1x8x1024xf32, #tpu.memory_space<hbm>>
    %dma_start3A_32 = tpu.memref_squeeze %dma_start3A_31 : memref<1x8x1024xf32, #tpu.memory_space<hbm>> -> memref<8x1024xf32, #tpu.memory_space<hbm>>
    tpu.enqueue_dma source(%dma_start3A_32 : memref<8x1024xf32, #tpu.memory_space<hbm>>) target(%dma_start3A_29 : memref<8x1024xf32, #tpu.memory_space<vmem>>) target_semaphore(%arg10 : memref<!tpu.dma_semaphore, #tpu.memory_space<semaphore_mem>>)
    %add3A_33 = arith.constant 0 : i32
    %add3A_34 = arith.addi %mul3A_2, %add3A_33 : i32
    %rem3A_35 = arith.constant 1 : i32
    %rem3A_36 = arith.constant 8 : i32
    %rem3A_37 = arith.remsi %rem3A_35, %rem3A_36 : i32
    %dma_start3A_38 = arith.constant 1 : i32
    %dma_start3A_39 = arith.constant 0 : i32
    %dma_start3A_40 = arith.constant 0 : i32
    %dma_start3A_41 = tpu.memref_slice %arg8[%rem3A_37, %dma_start3A_39, %dma_start3A_40] : memref<8x8x1024xf32, #tpu.memory_space<vmem>> -> memref<1x8x1024xf32, #tpu.memory_space<vmem>>
    %dma_start3A_42 = tpu.memref_squeeze %dma_start3A_41 : memref<1x8x1024xf32, #tpu.memory_space<vmem>> -> memref<8x1024xf32, #tpu.memory_space<vmem>>
    %dma_start3A_43 = arith.constant 0 : i32
    %dma_start3A_44 = tpu.memref_slice %arg2[%dma_start3A_38, %add3A_34, %dma_start3A_43] : memref<4x2048x4096xf32, #tpu.memory_space<hbm>> -> memref<1x8x1024xf32, #tpu.memory_space<hbm>>
    %dma_start3A_45 = tpu.memref_squeeze %dma_start3A_44 : memref<1x8x1024xf32, #tpu.memory_space<hbm>> -> memref<8x1024xf32, #tpu.memory_space<hbm>>
    %dma_start3A_46 = arith.constant 0 : i32
    %dma_start3A_47 = arith.constant 0 : i32
    %dma_start3A_48 = tpu.memref_slice %arg8[%rem3A_37, %dma_start3A_46, %dma_start3A_47] : memref<8x8x1024xf32, #tpu.memory_space<vmem>> -> memref<1x8x1024xf32, #tpu.memory_space<vmem>>
    %dma_start3A_49 = tpu.memref_squeeze %dma_start3A_48 : memref<1x8x1024xf32, #tpu.memory_space<vmem>> -> memref<8x1024xf32, #tpu.memory_space<vmem>>
    %dma_start3A_50 = arith.constant 0 : i32
    %dma_start3A_51 = tpu.memref_slice %arg2[%dma_start3A_38, %add3A_34, %dma_start3A_50] : memref<4x2048x4096xf32, #tpu.memory_space<hbm>> -> memref<1x8x1024xf32, #tpu.memory_space<hbm>>
    %dma_start3A_52 = tpu.memref_squeeze %dma_start3A_51 : memref<1x8x1024xf32, #tpu.memory_space<hbm>> -> memref<8x1024xf32, #tpu.memory_space<hbm>>
    tpu.enqueue_dma source(%dma_start3A_52 : memref<8x1024xf32, #tpu.memory_space<hbm>>) target(%dma_start3A_49 : memref<8x1024xf32, #tpu.memory_space<vmem>>) target_semaphore(%arg10 : memref<!tpu.dma_semaphore, #tpu.memory_space<semaphore_mem>>)
    %add3A_53 = arith.constant 0 : i32
    %add3A_54 = arith.addi %mul3A_2, %add3A_53 : i32
    %rem3A_55 = arith.constant 2 : i32
    %rem3A_56 = arith.constant 8 : i32
    %rem3A_57 = arith.remsi %rem3A_55, %rem3A_56 : i32
    %dma_start3A_58 = arith.constant 2 : i32
    %dma_start3A_59 = arith.constant 0 : i32
    %dma_start3A_60 = arith.constant 0 : i32
    %dma_start3A_61 = tpu.memref_slice %arg8[%rem3A_57, %dma_start3A_59, %dma_start3A_60] : memref<8x8x1024xf32, #tpu.memory_space<vmem>> -> memref<1x8x1024xf32, #tpu.memory_space<vmem>>
    %dma_start3A_62 = tpu.memref_squeeze %dma_start3A_61 : memref<1x8x1024xf32, #tpu.memory_space<vmem>> -> memref<8x1024xf32, #tpu.memory_space<vmem>>
    %dma_start3A_63 = arith.constant 0 : i32
    %dma_start3A_64 = tpu.memref_slice %arg2[%dma_start3A_58, %add3A_54, %dma_start3A_63] : memref<4x2048x4096xf32, #tpu.memory_space<hbm>> -> memref<1x8x1024xf32, #tpu.memory_space<hbm>>
    %dma_start3A_65 = tpu.memref_squeeze %dma_start3A_64 : memref<1x8x1024xf32, #tpu.memory_space<hbm>> -> memref<8x1024xf32, #tpu.memory_space<hbm>>
    %dma_start3A_66 = arith.constant 0 : i32
    %dma_start3A_67 = arith.constant 0 : i32
    %dma_start3A_68 = tpu.memref_slice %arg8[%rem3A_57, %dma_start3A_66, %dma_start3A_67] : memref<8x8x1024xf32, #tpu.memory_space<vmem>> -> memref<1x8x1024xf32, #tpu.memory_space<vmem>>
    %dma_start3A_69 = tpu.memref_squeeze %dma_start3A_68 : memref<1x8x1024xf32, #tpu.memory_space<vmem>> -> memref<8x1024xf32, #tpu.memory_space<vmem>>
    %dma_start3A_70 = arith.constant 0 : i32
    %dma_start3A_71 = tpu.memref_slice %arg2[%dma_start3A_58, %add3A_54, %dma_start3A_70] : memref<4x2048x4096xf32, #tpu.memory_space<hbm>> -> memref<1x8x1024xf32, #tpu.memory_space<hbm>>
    %dma_start3A_72 = tpu.memref_squeeze %dma_start3A_71 : memref<1x8x1024xf32, #tpu.memory_space<hbm>> -> memref<8x1024xf32, #tpu.memory_space<hbm>>
    tpu.enqueue_dma source(%dma_start3A_72 : memref<8x1024xf32, #tpu.memory_space<hbm>>) target(%dma_start3A_69 : memref<8x1024xf32, #tpu.memory_space<vmem>>) target_semaphore(%arg10 : memref<!tpu.dma_semaphore, #tpu.memory_space<semaphore_mem>>)
    %add3A_73 = arith.constant 0 : i32
    %add3A_74 = arith.addi %mul3A_2, %add3A_73 : i32
    %rem3A_75 = arith.constant 3 : i32
    %rem3A_76 = arith.constant 8 : i32
    %rem3A_77 = arith.remsi %rem3A_75, %rem3A_76 : i32
    %dma_start3A_78 = arith.constant 3 : i32
    %dma_start3A_79 = arith.constant 0 : i32
    %dma_start3A_80 = arith.constant 0 : i32
    %dma_start3A_81 = tpu.memref_slice %arg8[%rem3A_77, %dma_start3A_79, %dma_start3A_80] : memref<8x8x1024xf32, #tpu.memory_space<vmem>> -> memref<1x8x1024xf32, #tpu.memory_space<vmem>>
    %dma_start3A_82 = tpu.memref_squeeze %dma_start3A_81 : memref<1x8x1024xf32, #tpu.memory_space<vmem>> -> memref<8x1024xf32, #tpu.memory_space<vmem>>
    %dma_start3A_83 = arith.constant 0 : i32
    %dma_start3A_84 = tpu.memref_slice %arg2[%dma_start3A_78, %add3A_74, %dma_start3A_83] : memref<4x2048x4096xf32, #tpu.memory_space<hbm>> -> memref<1x8x1024xf32, #tpu.memory_space<hbm>>
    %dma_start3A_85 = tpu.memref_squeeze %dma_start3A_84 : memref<1x8x1024xf32, #tpu.memory_space<hbm>> -> memref<8x1024xf32, #tpu.memory_space<hbm>>
    %dma_start3A_86 = arith.constant 0 : i32
    %dma_start3A_87 = arith.constant 0 : i32
    %dma_start3A_88 = tpu.memref_slice %arg8[%rem3A_77, %dma_start3A_86, %dma_start3A_87] : memref<8x8x1024xf32, #tpu.memory_space<vmem>> -> memref<1x8x1024xf32, #tpu.memory_space<vmem>>
    %dma_start3A_89 = tpu.memref_squeeze %dma_start3A_88 : memref<1x8x1024xf32, #tpu.memory_space<vmem>> -> memref<8x1024xf32, #tpu.memory_space<vmem>>
    %dma_start3A_90 = arith.constant 0 : i32
    %dma_start3A_91 = tpu.memref_slice %arg2[%dma_start3A_78, %add3A_74, %dma_start3A_90] : memref<4x2048x4096xf32, #tpu.memory_space<hbm>> -> memref<1x8x1024xf32, #tpu.memory_space<hbm>>
    %dma_start3A_92 = tpu.memref_squeeze %dma_start3A_91 : memref<1x8x1024xf32, #tpu.memory_space<hbm>> -> memref<8x1024xf32, #tpu.memory_space<hbm>>
    tpu.enqueue_dma source(%dma_start3A_92 : memref<8x1024xf32, #tpu.memory_space<hbm>>) target(%dma_start3A_89 : memref<8x1024xf32, #tpu.memory_space<vmem>>) target_semaphore(%arg10 : memref<!tpu.dma_semaphore, #tpu.memory_space<semaphore_mem>>)
    %scan3A = arith.constant 0 : i32
    %scan3A_93 = arith.constant 0 : i32
    %scan3A_94 = arith.constant 128 : i32
    %scan3A_95 = arith.addi %scan3A_93, %scan3A_94 : i32
    %scan3A_96 = arith.constant 1 : i32
    scf.for %scan3A_177 = %scan3A_93 to %scan3A_95 step %scan3A_96  : i32 {
      %jit3A = arith.constant 4 : i32
      %div3A = arith.divsi %scan3A_177, %jit3A : i32
      %sign3A = arith.constant 0 : i32
      %sign3A_178 = arith.cmpi sgt, %scan3A_177, %sign3A : i32
      %sign3A_179 = arith.extui %sign3A_178 : i1 to i32
      %sign3A_180 = arith.constant 0 : i32
      %sign3A_181 = arith.cmpi slt, %scan3A_177, %sign3A_180 : i32
      %sign3A_182 = arith.extui %sign3A_181 : i1 to i32
      %sign3A_183 = arith.subi %sign3A_179, %sign3A_182 : i32
      %sign3A_184 = arith.constant 0 : i32
      %sign3A_185 = arith.cmpi sgt, %jit3A, %sign3A_184 : i32
      %sign3A_186 = arith.extui %sign3A_185 : i1 to i32
      %sign3A_187 = arith.constant 0 : i32
      %sign3A_188 = arith.cmpi slt, %jit3A, %sign3A_187 : i32
      %sign3A_189 = arith.extui %sign3A_188 : i1 to i32
      %sign3A_190 = arith.subi %sign3A_186, %sign3A_189 : i32
      %ne3A = arith.cmpi ne, %sign3A_183, %sign3A_190 : i32
      %rem3A_191 = arith.remsi %scan3A_177, %jit3A : i32
      %ne3A_192 = arith.constant 0 : i32
      %ne3A_193 = arith.cmpi ne, %rem3A_191, %ne3A_192 : i32
      %and3A = arith.andi %ne3A, %ne3A_193 : i1
      %sub3A = arith.constant 1 : i32
      %sub3A_194 = arith.subi %div3A, %sub3A : i32
      %select_n3A = arith.select %and3A, %sub3A_194, %div3A : i32
      %mul3A_195 = arith.constant 4 : i32
      %mul3A_196 = arith.muli %select_n3A, %mul3A_195 : i32
      %sub3A_197 = arith.subi %scan3A_177, %mul3A_196 : i32
      %jit3A_198 = arith.constant 4 : i32
      %div3A_199 = arith.divsi %select_n3A, %jit3A_198 : i32
      %sign3A_200 = arith.constant 0 : i32
      %sign3A_201 = arith.cmpi sgt, %select_n3A, %sign3A_200 : i32
      %sign3A_202 = arith.extui %sign3A_201 : i1 to i32
      %sign3A_203 = arith.constant 0 : i32
      %sign3A_204 = arith.cmpi slt, %select_n3A, %sign3A_203 : i32
      %sign3A_205 = arith.extui %sign3A_204 : i1 to i32
      %sign3A_206 = arith.subi %sign3A_202, %sign3A_205 : i32
      %sign3A_207 = arith.constant 0 : i32
      %sign3A_208 = arith.cmpi sgt, %jit3A_198, %sign3A_207 : i32
      %sign3A_209 = arith.extui %sign3A_208 : i1 to i32
      %sign3A_210 = arith.constant 0 : i32
      %sign3A_211 = arith.cmpi slt, %jit3A_198, %sign3A_210 : i32
      %sign3A_212 = arith.extui %sign3A_211 : i1 to i32
      %sign3A_213 = arith.subi %sign3A_209, %sign3A_212 : i32
      %ne3A_214 = arith.cmpi ne, %sign3A_206, %sign3A_213 : i32
      %rem3A_215 = arith.remsi %select_n3A, %jit3A_198 : i32
      %ne3A_216 = arith.constant 0 : i32
      %ne3A_217 = arith.cmpi ne, %rem3A_215, %ne3A_216 : i32
      %and3A_218 = arith.andi %ne3A_214, %ne3A_217 : i1
      %sub3A_219 = arith.constant 1 : i32
      %sub3A_220 = arith.subi %div3A_199, %sub3A_219 : i32
      %select_n3A_221 = arith.select %and3A_218, %sub3A_220, %div3A_199 : i32
      %mul3A_222 = arith.constant 4 : i32
      %mul3A_223 = arith.muli %select_n3A_221, %mul3A_222 : i32
      %sub3A_224 = arith.subi %select_n3A, %mul3A_223 : i32
      %rem3A_225 = arith.constant 8 : i32
      %rem3A_226 = arith.remsi %scan3A_177, %rem3A_225 : i32
      %rem3A_227 = arith.constant 2 : i32
      %rem3A_228 = arith.remsi %select_n3A, %rem3A_227 : i32
      %eq3A = arith.constant 0 : i32
      %eq3A_229 = arith.cmpi eq, %sub3A_197, %eq3A : i32
      %convert_element_type3A = arith.extui %eq3A_229 : i1 to i32
      %cond3A = arith.constant 0 : i32
      %cond3A_230 = arith.cmpi ne, %convert_element_type3A, %cond3A : i32
      scf.if %cond3A_230 {
        %jit3A_399 = arith.constant 4 : i32
        %div3A_400 = arith.divsi %select_n3A, %jit3A_399 : i32
        %sign3A_401 = arith.constant 0 : i32
        %sign3A_402 = arith.cmpi sgt, %select_n3A, %sign3A_401 : i32
        %sign3A_403 = arith.extui %sign3A_402 : i1 to i32
        %sign3A_404 = arith.constant 0 : i32
        %sign3A_405 = arith.cmpi slt, %select_n3A, %sign3A_404 : i32
        %sign3A_406 = arith.extui %sign3A_405 : i1 to i32
        %sign3A_407 = arith.subi %sign3A_403, %sign3A_406 : i32
        %sign3A_408 = arith.constant 0 : i32
        %sign3A_409 = arith.cmpi sgt, %jit3A_399, %sign3A_408 : i32
        %sign3A_410 = arith.extui %sign3A_409 : i1 to i32
        %sign3A_411 = arith.constant 0 : i32
        %sign3A_412 = arith.cmpi slt, %jit3A_399, %sign3A_411 : i32
        %sign3A_413 = arith.extui %sign3A_412 : i1 to i32
        %sign3A_414 = arith.subi %sign3A_410, %sign3A_413 : i32
        %ne3A_415 = arith.cmpi ne, %sign3A_407, %sign3A_414 : i32
        %rem3A_416 = arith.remsi %select_n3A, %jit3A_399 : i32
        %ne3A_417 = arith.constant 0 : i32
        %ne3A_418 = arith.cmpi ne, %rem3A_416, %ne3A_417 : i32
        %and3A_419 = arith.andi %ne3A_415, %ne3A_418 : i1
        %sub3A_420 = arith.constant 1 : i32
        %sub3A_421 = arith.subi %div3A_400, %sub3A_420 : i32
        %select_n3A_422 = arith.select %and3A_419, %sub3A_421, %div3A_400 : i32
        %mul3A_423 = arith.constant 4 : i32
        %mul3A_424 = arith.muli %select_n3A_422, %mul3A_423 : i32
        %sub3A_425 = arith.subi %select_n3A, %mul3A_424 : i32
        %mul3A_426 = arith.constant 8 : i32
        %mul3A_427 = arith.muli %select_n3A_422, %mul3A_426 : i32
        %mul3A_428 = arith.constant 1024 : i32
        %mul3A_429 = arith.muli %sub3A_425, %mul3A_428 : i32
        %rem3A_430 = arith.constant 2 : i32
        %rem3A_431 = arith.remsi %select_n3A, %rem3A_430 : i32
        %dma_wait3A_432 = arith.constant 0 : i32
        %dma_wait3A_433 = arith.constant 0 : i32
        %dma_wait3A_434 = tpu.memref_slice %arg7[%rem3A_431, %dma_wait3A_432, %dma_wait3A_433] : memref<2x8x1024xf32, #tpu.memory_space<vmem>> -> memref<1x8x1024xf32, #tpu.memory_space<vmem>>
        %dma_wait3A_435 = tpu.memref_squeeze %dma_wait3A_434 : memref<1x8x1024xf32, #tpu.memory_space<vmem>> -> memref<8x1024xf32, #tpu.memory_space<vmem>>
        %dma_wait3A_436 = tpu.memref_slice %arg6[%mul3A_427] : memref<64xi32, #tpu.memory_space<vmem>> -> memref<8xi32, #tpu.memory_space<vmem>>
        %dma_wait3A_437 = arith.constant 0 : i32
        %dma_wait3A_438 = tpu.memref_slice %arg3[%dma_wait3A_437, %mul3A_429] : memref<2048x4096xf32, #tpu.memory_space<hbm>> -> memref<2048x1024xf32, #tpu.memory_space<hbm>>
        tpu.wait_indirect_dma semaphore(%arg9 : memref<!tpu.dma_semaphore, #tpu.memory_space<semaphore_mem>>) src(%dma_wait3A_438 : memref<2048x1024xf32, #tpu.memory_space<hbm>>) dst(%dma_wait3A_435 : memref<8x1024xf32, #tpu.memory_space<vmem>>)
      } else {
      }
      %eq3A_231 = arith.constant 0 : i32
      %eq3A_232 = arith.cmpi eq, %sub3A_197, %eq3A_231 : i32
      %add3A_233 = arith.constant 1 : i32
      %add3A_234 = arith.addi %select_n3A, %add3A_233 : i32
      %lt3A = arith.constant 32 : i32
      %lt3A_235 = arith.cmpi slt, %add3A_234, %lt3A : i32
      %and3A_236 = arith.andi %eq3A_232, %lt3A_235 : i1
      %convert_element_type3A_237 = arith.extui %and3A_236 : i1 to i32
      %cond3A_238 = arith.constant 0 : i32
      %cond3A_239 = arith.cmpi ne, %convert_element_type3A_237, %cond3A_238 : i32
      scf.if %cond3A_239 {
        %add3A_399 = arith.constant 1 : i32
        %add3A_400 = arith.addi %select_n3A, %add3A_399 : i32
        %jit3A_401 = arith.constant 4 : i32
        %div3A_402 = arith.divsi %add3A_400, %jit3A_401 : i32
        %sign3A_403 = arith.constant 0 : i32
        %sign3A_404 = arith.cmpi sgt, %add3A_400, %sign3A_403 : i32
        %sign3A_405 = arith.extui %sign3A_404 : i1 to i32
        %sign3A_406 = arith.constant 0 : i32
        %sign3A_407 = arith.cmpi slt, %add3A_400, %sign3A_406 : i32
        %sign3A_408 = arith.extui %sign3A_407 : i1 to i32
        %sign3A_409 = arith.subi %sign3A_405, %sign3A_408 : i32
        %sign3A_410 = arith.constant 0 : i32
        %sign3A_411 = arith.cmpi sgt, %jit3A_401, %sign3A_410 : i32
        %sign3A_412 = arith.extui %sign3A_411 : i1 to i32
        %sign3A_413 = arith.constant 0 : i32
        %sign3A_414 = arith.cmpi slt, %jit3A_401, %sign3A_413 : i32
        %sign3A_415 = arith.extui %sign3A_414 : i1 to i32
        %sign3A_416 = arith.subi %sign3A_412, %sign3A_415 : i32
        %ne3A_417 = arith.cmpi ne, %sign3A_409, %sign3A_416 : i32
        %rem3A_418 = arith.remsi %add3A_400, %jit3A_401 : i32
        %ne3A_419 = arith.constant 0 : i32
        %ne3A_420 = arith.cmpi ne, %rem3A_418, %ne3A_419 : i32
        %and3A_421 = arith.andi %ne3A_417, %ne3A_420 : i1
        %sub3A_422 = arith.constant 1 : i32
        %sub3A_423 = arith.subi %div3A_402, %sub3A_422 : i32
        %select_n3A_424 = arith.select %and3A_421, %sub3A_423, %div3A_402 : i32
        %mul3A_425 = arith.constant 4 : i32
        %mul3A_426 = arith.muli %select_n3A_424, %mul3A_425 : i32
        %sub3A_427 = arith.subi %add3A_400, %mul3A_426 : i32
        %mul3A_428 = arith.constant 8 : i32
        %mul3A_429 = arith.muli %select_n3A_424, %mul3A_428 : i32
        %mul3A_430 = arith.constant 1024 : i32
        %mul3A_431 = arith.muli %sub3A_427, %mul3A_430 : i32
        %rem3A_432 = arith.constant 2 : i32
        %rem3A_433 = arith.remsi %add3A_400, %rem3A_432 : i32
        %dma_start3A_434 = arith.constant 0 : i32
        %dma_start3A_435 = arith.constant 0 : i32
        %dma_start3A_436 = tpu.memref_slice %arg7[%rem3A_433, %dma_start3A_434, %dma_start3A_435] : memref<2x8x1024xf32, #tpu.memory_space<vmem>> -> memref<1x8x1024xf32, #tpu.memory_space<vmem>>
        %dma_start3A_437 = tpu.memref_squeeze %dma_start3A_436 : memref<1x8x1024xf32, #tpu.memory_space<vmem>> -> memref<8x1024xf32, #tpu.memory_space<vmem>>
        %dma_start3A_438 = tpu.memref_slice %arg6[%mul3A_429] : memref<64xi32, #tpu.memory_space<vmem>> -> memref<8xi32, #tpu.memory_space<vmem>>
        %dma_start3A_439 = arith.constant 0 : i32
        %dma_start3A_440 = tpu.memref_slice %arg3[%dma_start3A_439, %mul3A_431] : memref<2048x4096xf32, #tpu.memory_space<hbm>> -> memref<2048x1024xf32, #tpu.memory_space<hbm>>
        tpu.enqueue_indirect_dma source(%dma_start3A_440 : memref<2048x1024xf32, #tpu.memory_space<hbm>>) target(%dma_start3A_437 : memref<8x1024xf32, #tpu.memory_space<vmem>>) offsets(%dma_start3A_438 : memref<8xi32, #tpu.memory_space<vmem>>) semaphore(%arg9 : memref<!tpu.dma_semaphore, #tpu.memory_space<semaphore_mem>>)
      } else {
      }
      %ge3A = arith.constant 4 : i32
      %ge3A_240 = arith.cmpi sge, %scan3A_177, %ge3A : i32
      %convert_element_type3A_241 = arith.extui %ge3A_240 : i1 to i32
      %cond3A_242 = arith.constant 0 : i32
      %cond3A_243 = arith.cmpi ne, %convert_element_type3A_241, %cond3A_242 : i32
      scf.if %cond3A_243 {
        %sub3A_399 = arith.constant 4 : i32
        %sub3A_400 = arith.subi %scan3A_177, %sub3A_399 : i32
        %jit3A_401 = arith.constant 4 : i32
        %div3A_402 = arith.divsi %sub3A_400, %jit3A_401 : i32
        %sign3A_403 = arith.constant 0 : i32
        %sign3A_404 = arith.cmpi sgt, %sub3A_400, %sign3A_403 : i32
        %sign3A_405 = arith.extui %sign3A_404 : i1 to i32
        %sign3A_406 = arith.constant 0 : i32
        %sign3A_407 = arith.cmpi slt, %sub3A_400, %sign3A_406 : i32
        %sign3A_408 = arith.extui %sign3A_407 : i1 to i32
        %sign3A_409 = arith.subi %sign3A_405, %sign3A_408 : i32
        %sign3A_410 = arith.constant 0 : i32
        %sign3A_411 = arith.cmpi sgt, %jit3A_401, %sign3A_410 : i32
        %sign3A_412 = arith.extui %sign3A_411 : i1 to i32
        %sign3A_413 = arith.constant 0 : i32
        %sign3A_414 = arith.cmpi slt, %jit3A_401, %sign3A_413 : i32
        %sign3A_415 = arith.extui %sign3A_414 : i1 to i32
        %sign3A_416 = arith.subi %sign3A_412, %sign3A_415 : i32
        %ne3A_417 = arith.cmpi ne, %sign3A_409, %sign3A_416 : i32
        %rem3A_418 = arith.remsi %sub3A_400, %jit3A_401 : i32
        %ne3A_419 = arith.constant 0 : i32
        %ne3A_420 = arith.cmpi ne, %rem3A_418, %ne3A_419 : i32
        %and3A_421 = arith.andi %ne3A_417, %ne3A_420 : i1
        %sub3A_422 = arith.constant 1 : i32
        %sub3A_423 = arith.subi %div3A_402, %sub3A_422 : i32
        %select_n3A_424 = arith.select %and3A_421, %sub3A_423, %div3A_402 : i32
        %mul3A_425 = arith.constant 4 : i32
        %mul3A_426 = arith.muli %select_n3A_424, %mul3A_425 : i32
        %sub3A_427 = arith.subi %sub3A_400, %mul3A_426 : i32
        %jit3A_428 = arith.constant 4 : i32
        %div3A_429 = arith.divsi %select_n3A_424, %jit3A_428 : i32
        %sign3A_430 = arith.constant 0 : i32
        %sign3A_431 = arith.cmpi sgt, %select_n3A_424, %sign3A_430 : i32
        %sign3A_432 = arith.extui %sign3A_431 : i1 to i32
        %sign3A_433 = arith.constant 0 : i32
        %sign3A_434 = arith.cmpi slt, %select_n3A_424, %sign3A_433 : i32
        %sign3A_435 = arith.extui %sign3A_434 : i1 to i32
        %sign3A_436 = arith.subi %sign3A_432, %sign3A_435 : i32
        %sign3A_437 = arith.constant 0 : i32
        %sign3A_438 = arith.cmpi sgt, %jit3A_428, %sign3A_437 : i32
        %sign3A_439 = arith.extui %sign3A_438 : i1 to i32
        %sign3A_440 = arith.constant 0 : i32
        %sign3A_441 = arith.cmpi slt, %jit3A_428, %sign3A_440 : i32
        %sign3A_442 = arith.extui %sign3A_441 : i1 to i32
        %sign3A_443 = arith.subi %sign3A_439, %sign3A_442 : i32
        %ne3A_444 = arith.cmpi ne, %sign3A_436, %sign3A_443 : i32
        %rem3A_445 = arith.remsi %select_n3A_424, %jit3A_428 : i32
        %ne3A_446 = arith.constant 0 : i32
        %ne3A_447 = arith.cmpi ne, %rem3A_445, %ne3A_446 : i32
        %and3A_448 = arith.andi %ne3A_444, %ne3A_447 : i1
        %sub3A_449 = arith.constant 1 : i32
        %sub3A_450 = arith.subi %div3A_429, %sub3A_449 : i32
        %select_n3A_451 = arith.select %and3A_448, %sub3A_450, %div3A_429 : i32
        %mul3A_452 = arith.constant 4 : i32
        %mul3A_453 = arith.muli %select_n3A_451, %mul3A_452 : i32
        %sub3A_454 = arith.subi %select_n3A_424, %mul3A_453 : i32
        %rem3A_455 = arith.constant 8 : i32
        %rem3A_456 = arith.remsi %sub3A_400, %rem3A_455 : i32
        %mul3A_457 = arith.constant 8 : i32
        %mul3A_458 = arith.muli %select_n3A_451, %mul3A_457 : i32
        %add3A_459 = arith.addi %mul3A_2, %mul3A_458 : i32
        %mul3A_460 = arith.constant 1024 : i32
        %mul3A_461 = arith.muli %sub3A_454, %mul3A_460 : i32
        %dma_wait3A_462 = arith.constant 0 : i32
        %dma_wait3A_463 = arith.constant 0 : i32
        %dma_wait3A_464 = tpu.memref_slice %arg8[%rem3A_456, %dma_wait3A_462, %dma_wait3A_463] : memref<8x8x1024xf32, #tpu.memory_space<vmem>> -> memref<1x8x1024xf32, #tpu.memory_space<vmem>>
        %dma_wait3A_465 = tpu.memref_squeeze %dma_wait3A_464 : memref<1x8x1024xf32, #tpu.memory_space<vmem>> -> memref<8x1024xf32, #tpu.memory_space<vmem>>
        %dma_wait3A_466 = tpu.memref_slice %arg5[%sub3A_427, %add3A_459, %mul3A_461] : memref<4x2048x4096xf32, #tpu.memory_space<hbm>> -> memref<1x8x1024xf32, #tpu.memory_space<hbm>>
        %dma_wait3A_467 = tpu.memref_squeeze %dma_wait3A_466 : memref<1x8x1024xf32, #tpu.memory_space<hbm>> -> memref<8x1024xf32, #tpu.memory_space<hbm>>
        %dma_wait3A_468 = tpu.memref_slice %arg5[%sub3A_427, %add3A_459, %mul3A_461] : memref<4x2048x4096xf32, #tpu.memory_space<hbm>> -> memref<1x8x1024xf32, #tpu.memory_space<hbm>>
        %dma_wait3A_469 = tpu.memref_squeeze %dma_wait3A_468 : memref<1x8x1024xf32, #tpu.memory_space<hbm>> -> memref<8x1024xf32, #tpu.memory_space<hbm>>
        %dma_wait3A_470 = arith.constant 0 : i32
        %dma_wait3A_471 = arith.constant 0 : i32
        %dma_wait3A_472 = tpu.memref_slice %arg8[%rem3A_456, %dma_wait3A_470, %dma_wait3A_471] : memref<8x8x1024xf32, #tpu.memory_space<vmem>> -> memref<1x8x1024xf32, #tpu.memory_space<vmem>>
        %dma_wait3A_473 = tpu.memref_squeeze %dma_wait3A_472 : memref<1x8x1024xf32, #tpu.memory_space<vmem>> -> memref<8x1024xf32, #tpu.memory_space<vmem>>
        tpu.wait_dma2 semaphore(%arg11 : memref<!tpu.dma_semaphore, #tpu.memory_space<semaphore_mem>>) src(%dma_wait3A_473 : memref<8x1024xf32, #tpu.memory_space<vmem>>) dst(%dma_wait3A_469 : memref<8x1024xf32, #tpu.memory_space<hbm>>)
      } else {
      }
      %add3A_244 = arith.constant 4 : i32
      %add3A_245 = arith.addi %scan3A_177, %add3A_244 : i32
      %lt3A_246 = arith.constant 128 : i32
      %lt3A_247 = arith.cmpi slt, %add3A_245, %lt3A_246 : i32
      %convert_element_type3A_248 = arith.extui %lt3A_247 : i1 to i32
      %cond3A_249 = arith.constant 0 : i32
      %cond3A_250 = arith.cmpi ne, %convert_element_type3A_248, %cond3A_249 : i32
      scf.if %cond3A_250 {
        %add3A_399 = arith.constant 4 : i32
        %add3A_400 = arith.addi %scan3A_177, %add3A_399 : i32
        %jit3A_401 = arith.constant 4 : i32
        %div3A_402 = arith.divsi %add3A_400, %jit3A_401 : i32
        %sign3A_403 = arith.constant 0 : i32
        %sign3A_404 = arith.cmpi sgt, %add3A_400, %sign3A_403 : i32
        %sign3A_405 = arith.extui %sign3A_404 : i1 to i32
        %sign3A_406 = arith.constant 0 : i32
        %sign3A_407 = arith.cmpi slt, %add3A_400, %sign3A_406 : i32
        %sign3A_408 = arith.extui %sign3A_407 : i1 to i32
        %sign3A_409 = arith.subi %sign3A_405, %sign3A_408 : i32
        %sign3A_410 = arith.constant 0 : i32
        %sign3A_411 = arith.cmpi sgt, %jit3A_401, %sign3A_410 : i32
        %sign3A_412 = arith.extui %sign3A_411 : i1 to i32
        %sign3A_413 = arith.constant 0 : i32
        %sign3A_414 = arith.cmpi slt, %jit3A_401, %sign3A_413 : i32
        %sign3A_415 = arith.extui %sign3A_414 : i1 to i32
        %sign3A_416 = arith.subi %sign3A_412, %sign3A_415 : i32
        %ne3A_417 = arith.cmpi ne, %sign3A_409, %sign3A_416 : i32
        %rem3A_418 = arith.remsi %add3A_400, %jit3A_401 : i32
        %ne3A_419 = arith.constant 0 : i32
        %ne3A_420 = arith.cmpi ne, %rem3A_418, %ne3A_419 : i32
        %and3A_421 = arith.andi %ne3A_417, %ne3A_420 : i1
        %sub3A_422 = arith.constant 1 : i32
        %sub3A_423 = arith.subi %div3A_402, %sub3A_422 : i32
        %select_n3A_424 = arith.select %and3A_421, %sub3A_423, %div3A_402 : i32
        %mul3A_425 = arith.constant 4 : i32
        %mul3A_426 = arith.muli %select_n3A_424, %mul3A_425 : i32
        %sub3A_427 = arith.subi %add3A_400, %mul3A_426 : i32
        %jit3A_428 = arith.constant 4 : i32
        %div3A_429 = arith.divsi %select_n3A_424, %jit3A_428 : i32
        %sign3A_430 = arith.constant 0 : i32
        %sign3A_431 = arith.cmpi sgt, %select_n3A_424, %sign3A_430 : i32
        %sign3A_432 = arith.extui %sign3A_431 : i1 to i32
        %sign3A_433 = arith.constant 0 : i32
        %sign3A_434 = arith.cmpi slt, %select_n3A_424, %sign3A_433 : i32
        %sign3A_435 = arith.extui %sign3A_434 : i1 to i32
        %sign3A_436 = arith.subi %sign3A_432, %sign3A_435 : i32
        %sign3A_437 = arith.constant 0 : i32
        %sign3A_438 = arith.cmpi sgt, %jit3A_428, %sign3A_437 : i32
        %sign3A_439 = arith.extui %sign3A_438 : i1 to i32
        %sign3A_440 = arith.constant 0 : i32
        %sign3A_441 = arith.cmpi slt, %jit3A_428, %sign3A_440 : i32
        %sign3A_442 = arith.extui %sign3A_441 : i1 to i32
        %sign3A_443 = arith.subi %sign3A_439, %sign3A_442 : i32
        %ne3A_444 = arith.cmpi ne, %sign3A_436, %sign3A_443 : i32
        %rem3A_445 = arith.remsi %select_n3A_424, %jit3A_428 : i32
        %ne3A_446 = arith.constant 0 : i32
        %ne3A_447 = arith.cmpi ne, %rem3A_445, %ne3A_446 : i32
        %and3A_448 = arith.andi %ne3A_444, %ne3A_447 : i1
        %sub3A_449 = arith.constant 1 : i32
        %sub3A_450 = arith.subi %div3A_429, %sub3A_449 : i32
        %select_n3A_451 = arith.select %and3A_448, %sub3A_450, %div3A_429 : i32
        %mul3A_452 = arith.constant 4 : i32
        %mul3A_453 = arith.muli %select_n3A_451, %mul3A_452 : i32
        %sub3A_454 = arith.subi %select_n3A_424, %mul3A_453 : i32
        %mul3A_455 = arith.constant 8 : i32
        %mul3A_456 = arith.muli %select_n3A_451, %mul3A_455 : i32
        %add3A_457 = arith.addi %mul3A_2, %mul3A_456 : i32
        %mul3A_458 = arith.constant 1024 : i32
        %mul3A_459 = arith.muli %sub3A_454, %mul3A_458 : i32
        %rem3A_460 = arith.constant 8 : i32
        %rem3A_461 = arith.remsi %add3A_400, %rem3A_460 : i32
        %dma_start3A_462 = arith.constant 0 : i32
        %dma_start3A_463 = arith.constant 0 : i32
        %dma_start3A_464 = tpu.memref_slice %arg8[%rem3A_461, %dma_start3A_462, %dma_start3A_463] : memref<8x8x1024xf32, #tpu.memory_space<vmem>> -> memref<1x8x1024xf32, #tpu.memory_space<vmem>>
        %dma_start3A_465 = tpu.memref_squeeze %dma_start3A_464 : memref<1x8x1024xf32, #tpu.memory_space<vmem>> -> memref<8x1024xf32, #tpu.memory_space<vmem>>
        %dma_start3A_466 = tpu.memref_slice %arg2[%sub3A_427, %add3A_457, %mul3A_459] : memref<4x2048x4096xf32, #tpu.memory_space<hbm>> -> memref<1x8x1024xf32, #tpu.memory_space<hbm>>
        %dma_start3A_467 = tpu.memref_squeeze %dma_start3A_466 : memref<1x8x1024xf32, #tpu.memory_space<hbm>> -> memref<8x1024xf32, #tpu.memory_space<hbm>>
        %dma_start3A_468 = arith.constant 0 : i32
        %dma_start3A_469 = arith.constant 0 : i32
        %dma_start3A_470 = tpu.memref_slice %arg8[%rem3A_461, %dma_start3A_468, %dma_start3A_469] : memref<8x8x1024xf32, #tpu.memory_space<vmem>> -> memref<1x8x1024xf32, #tpu.memory_space<vmem>>
        %dma_start3A_471 = tpu.memref_squeeze %dma_start3A_470 : memref<1x8x1024xf32, #tpu.memory_space<vmem>> -> memref<8x1024xf32, #tpu.memory_space<vmem>>
        %dma_start3A_472 = tpu.memref_slice %arg2[%sub3A_427, %add3A_457, %mul3A_459] : memref<4x2048x4096xf32, #tpu.memory_space<hbm>> -> memref<1x8x1024xf32, #tpu.memory_space<hbm>>
        %dma_start3A_473 = tpu.memref_squeeze %dma_start3A_472 : memref<1x8x1024xf32, #tpu.memory_space<hbm>> -> memref<8x1024xf32, #tpu.memory_space<hbm>>
        tpu.enqueue_dma source(%dma_start3A_473 : memref<8x1024xf32, #tpu.memory_space<hbm>>) target(%dma_start3A_471 : memref<8x1024xf32, #tpu.memory_space<vmem>>) target_semaphore(%arg10 : memref<!tpu.dma_semaphore, #tpu.memory_space<semaphore_mem>>)
      } else {
      }
      %jit3A_251 = arith.constant 4 : i32
      %div3A_252 = arith.divsi %scan3A_177, %jit3A_251 : i32
      %sign3A_253 = arith.constant 0 : i32
      %sign3A_254 = arith.cmpi sgt, %scan3A_177, %sign3A_253 : i32
      %sign3A_255 = arith.extui %sign3A_254 : i1 to i32
      %sign3A_256 = arith.constant 0 : i32
      %sign3A_257 = arith.cmpi slt, %scan3A_177, %sign3A_256 : i32
      %sign3A_258 = arith.extui %sign3A_257 : i1 to i32
      %sign3A_259 = arith.subi %sign3A_255, %sign3A_258 : i32
      %sign3A_260 = arith.constant 0 : i32
      %sign3A_261 = arith.cmpi sgt, %jit3A_251, %sign3A_260 : i32
      %sign3A_262 = arith.extui %sign3A_261 : i1 to i32
      %sign3A_263 = arith.constant 0 : i32
      %sign3A_264 = arith.cmpi slt, %jit3A_251, %sign3A_263 : i32
      %sign3A_265 = arith.extui %sign3A_264 : i1 to i32
      %sign3A_266 = arith.subi %sign3A_262, %sign3A_265 : i32
      %ne3A_267 = arith.cmpi ne, %sign3A_259, %sign3A_266 : i32
      %rem3A_268 = arith.remsi %scan3A_177, %jit3A_251 : i32
      %ne3A_269 = arith.constant 0 : i32
      %ne3A_270 = arith.cmpi ne, %rem3A_268, %ne3A_269 : i32
      %and3A_271 = arith.andi %ne3A_267, %ne3A_270 : i1
      %sub3A_272 = arith.constant 1 : i32
      %sub3A_273 = arith.subi %div3A_252, %sub3A_272 : i32
      %select_n3A_274 = arith.select %and3A_271, %sub3A_273, %div3A_252 : i32
      %mul3A_275 = arith.constant 4 : i32
      %mul3A_276 = arith.muli %select_n3A_274, %mul3A_275 : i32
      %sub3A_277 = arith.subi %scan3A_177, %mul3A_276 : i32
      %jit3A_278 = arith.constant 4 : i32
      %div3A_279 = arith.divsi %select_n3A_274, %jit3A_278 : i32
      %sign3A_280 = arith.constant 0 : i32
      %sign3A_281 = arith.cmpi sgt, %select_n3A_274, %sign3A_280 : i32
      %sign3A_282 = arith.extui %sign3A_281 : i1 to i32
      %sign3A_283 = arith.constant 0 : i32
      %sign3A_284 = arith.cmpi slt, %select_n3A_274, %sign3A_283 : i32
      %sign3A_285 = arith.extui %sign3A_284 : i1 to i32
      %sign3A_286 = arith.subi %sign3A_282, %sign3A_285 : i32
      %sign3A_287 = arith.constant 0 : i32
      %sign3A_288 = arith.cmpi sgt, %jit3A_278, %sign3A_287 : i32
      %sign3A_289 = arith.extui %sign3A_288 : i1 to i32
      %sign3A_290 = arith.constant 0 : i32
      %sign3A_291 = arith.cmpi slt, %jit3A_278, %sign3A_290 : i32
      %sign3A_292 = arith.extui %sign3A_291 : i1 to i32
      %sign3A_293 = arith.subi %sign3A_289, %sign3A_292 : i32
      %ne3A_294 = arith.cmpi ne, %sign3A_286, %sign3A_293 : i32
      %rem3A_295 = arith.remsi %select_n3A_274, %jit3A_278 : i32
      %ne3A_296 = arith.constant 0 : i32
      %ne3A_297 = arith.cmpi ne, %rem3A_295, %ne3A_296 : i32
      %and3A_298 = arith.andi %ne3A_294, %ne3A_297 : i1
      %sub3A_299 = arith.constant 1 : i32
      %sub3A_300 = arith.subi %div3A_279, %sub3A_299 : i32
      %select_n3A_301 = arith.select %and3A_298, %sub3A_300, %div3A_279 : i32
      %mul3A_302 = arith.constant 4 : i32
      %mul3A_303 = arith.muli %select_n3A_301, %mul3A_302 : i32
      %sub3A_304 = arith.subi %select_n3A_274, %mul3A_303 : i32
      %mul3A_305 = arith.constant 8 : i32
      %mul3A_306 = arith.muli %select_n3A_301, %mul3A_305 : i32
      %add3A_307 = arith.addi %mul3A_2, %mul3A_306 : i32
      %mul3A_308 = arith.constant 1024 : i32
      %mul3A_309 = arith.muli %sub3A_304, %mul3A_308 : i32
      %rem3A_310 = arith.constant 8 : i32
      %rem3A_311 = arith.remsi %scan3A_177, %rem3A_310 : i32
      %dma_wait3A_312 = arith.constant 0 : i32
      %dma_wait3A_313 = arith.constant 0 : i32
      %dma_wait3A_314 = tpu.memref_slice %arg8[%rem3A_311, %dma_wait3A_312, %dma_wait3A_313] : memref<8x8x1024xf32, #tpu.memory_space<vmem>> -> memref<1x8x1024xf32, #tpu.memory_space<vmem>>
      %dma_wait3A_315 = tpu.memref_squeeze %dma_wait3A_314 : memref<1x8x1024xf32, #tpu.memory_space<vmem>> -> memref<8x1024xf32, #tpu.memory_space<vmem>>
      %dma_wait3A_316 = tpu.memref_slice %arg2[%sub3A_277, %add3A_307, %mul3A_309] : memref<4x2048x4096xf32, #tpu.memory_space<hbm>> -> memref<1x8x1024xf32, #tpu.memory_space<hbm>>
      %dma_wait3A_317 = tpu.memref_squeeze %dma_wait3A_316 : memref<1x8x1024xf32, #tpu.memory_space<hbm>> -> memref<8x1024xf32, #tpu.memory_space<hbm>>
      %dma_wait3A_318 = arith.constant 0 : i32
      %dma_wait3A_319 = arith.constant 0 : i32
      %dma_wait3A_320 = tpu.memref_slice %arg8[%rem3A_311, %dma_wait3A_318, %dma_wait3A_319] : memref<8x8x1024xf32, #tpu.memory_space<vmem>> -> memref<1x8x1024xf32, #tpu.memory_space<vmem>>
      %dma_wait3A_321 = tpu.memref_squeeze %dma_wait3A_320 : memref<1x8x1024xf32, #tpu.memory_space<vmem>> -> memref<8x1024xf32, #tpu.memory_space<vmem>>
      %dma_wait3A_322 = tpu.memref_slice %arg2[%sub3A_277, %add3A_307, %mul3A_309] : memref<4x2048x4096xf32, #tpu.memory_space<hbm>> -> memref<1x8x1024xf32, #tpu.memory_space<hbm>>
      %dma_wait3A_323 = tpu.memref_squeeze %dma_wait3A_322 : memref<1x8x1024xf32, #tpu.memory_space<hbm>> -> memref<8x1024xf32, #tpu.memory_space<hbm>>
      tpu.wait_dma2 semaphore(%arg10 : memref<!tpu.dma_semaphore, #tpu.memory_space<semaphore_mem>>) src(%dma_wait3A_323 : memref<8x1024xf32, #tpu.memory_space<hbm>>) dst(%dma_wait3A_321 : memref<8x1024xf32, #tpu.memory_space<vmem>>)
      %parallel_loop3A = arith.constant 0 : i32
      %parallel_loop3A_324 = arith.constant 64 : i32
      %parallel_loop3A_325 = arith.constant 1 : i32
      scf.for %parallel_loop3A_399 = %parallel_loop3A to %parallel_loop3A_324 step %parallel_loop3A_325  : i32 {
        %parallel_loop3A_400 = arith.constant 16 : i32
        %parallel_loop3A_401 = arith.muli %parallel_loop3A_399, %parallel_loop3A_400 : i32
        %parallel_loop3A_402 = arith.constant 0 : i32
        %parallel_loop3A_403 = arith.index_cast %rem3A_228 : i32 to index
        %parallel_loop3A_404 = arith.index_cast %parallel_loop3A_402 : i32 to index
        %parallel_loop3A_405 = arith.index_cast %parallel_loop3A_401 : i32 to index
        %parallel_loop3A_406 = tpu.vector_load %arg7[%parallel_loop3A_403, %parallel_loop3A_404, %parallel_loop3A_405] {strides = array<i32>} : memref<2x8x1024xf32, #tpu.memory_space<vmem>>, vector<1x1x16xf32>,
        %parallel_loop3A_407 = vector.shape_cast %parallel_loop3A_406 : vector<1x1x16xf32> to vector<16xf32>
        %parallel_loop3A_408 = arith.constant 0 : i32
        %parallel_loop3A_409 = arith.index_cast %rem3A_226 : i32 to index
        %parallel_loop3A_410 = arith.index_cast %parallel_loop3A_408 : i32 to index
        %parallel_loop3A_411 = arith.index_cast %parallel_loop3A_401 : i32 to index
        %parallel_loop3A_412 = tpu.vector_load %arg8[%parallel_loop3A_409, %parallel_loop3A_410, %parallel_loop3A_411] {strides = array<i32>} : memref<8x8x1024xf32, #tpu.memory_space<vmem>>, vector<1x1x16xf32>,
        %parallel_loop3A_413 = vector.shape_cast %parallel_loop3A_412 : vector<1x1x16xf32> to vector<16xf32>
        %parallel_loop3A_414 = vector.shape_cast %parallel_loop3A_407 : vector<16xf32> to vector<1x1x16xf32>
        tpu.vector_store %arg8[%parallel_loop3A_409, %parallel_loop3A_410, %parallel_loop3A_411], %parallel_loop3A_414 {add = true, strides = array<i32>} : memref<8x8x1024xf32, #tpu.memory_space<vmem>>, vector<1x1x16xf32>,
        %parallel_loop3A_415 = arith.constant 1 : i32
        %parallel_loop3A_416 = arith.index_cast %rem3A_228 : i32 to index
        %parallel_loop3A_417 = arith.index_cast %parallel_loop3A_415 : i32 to index
        %parallel_loop3A_418 = arith.index_cast %parallel_loop3A_401 : i32 to index
        %parallel_loop3A_419 = tpu.vector_load %arg7[%parallel_loop3A_416, %parallel_loop3A_417, %parallel_loop3A_418] {strides = array<i32>} : memref<2x8x1024xf32, #tpu.memory_space<vmem>>, vector<1x1x16xf32>,
        %parallel_loop3A_420 = vector.shape_cast %parallel_loop3A_419 : vector<1x1x16xf32> to vector<16xf32>
        %parallel_loop3A_421 = arith.constant 1 : i32
        %parallel_loop3A_422 = arith.index_cast %rem3A_226 : i32 to index
        %parallel_loop3A_423 = arith.index_cast %parallel_loop3A_421 : i32 to index
        %parallel_loop3A_424 = arith.index_cast %parallel_loop3A_401 : i32 to index
        %parallel_loop3A_425 = tpu.vector_load %arg8[%parallel_loop3A_422, %parallel_loop3A_423, %parallel_loop3A_424] {strides = array<i32>} : memref<8x8x1024xf32, #tpu.memory_space<vmem>>, vector<1x1x16xf32>,
        %parallel_loop3A_426 = vector.shape_cast %parallel_loop3A_425 : vector<1x1x16xf32> to vector<16xf32>
        %parallel_loop3A_427 = vector.shape_cast %parallel_loop3A_420 : vector<16xf32> to vector<1x1x16xf32>
        tpu.vector_store %arg8[%parallel_loop3A_422, %parallel_loop3A_423, %parallel_loop3A_424], %parallel_loop3A_427 {add = true, strides = array<i32>} : memref<8x8x1024xf32, #tpu.memory_space<vmem>>, vector<1x1x16xf32>,
        %parallel_loop3A_428 = arith.constant 2 : i32
        %parallel_loop3A_429 = arith.index_cast %rem3A_228 : i32 to index
        %parallel_loop3A_430 = arith.index_cast %parallel_loop3A_428 : i32 to index
        %parallel_loop3A_431 = arith.index_cast %parallel_loop3A_401 : i32 to index
        %parallel_loop3A_432 = tpu.vector_load %arg7[%parallel_loop3A_429, %parallel_loop3A_430, %parallel_loop3A_431] {strides = array<i32>} : memref<2x8x1024xf32, #tpu.memory_space<vmem>>, vector<1x1x16xf32>,
        %parallel_loop3A_433 = vector.shape_cast %parallel_loop3A_432 : vector<1x1x16xf32> to vector<16xf32>
        %parallel_loop3A_434 = arith.constant 2 : i32
        %parallel_loop3A_435 = arith.index_cast %rem3A_226 : i32 to index
        %parallel_loop3A_436 = arith.index_cast %parallel_loop3A_434 : i32 to index
        %parallel_loop3A_437 = arith.index_cast %parallel_loop3A_401 : i32 to index
        %parallel_loop3A_438 = tpu.vector_load %arg8[%parallel_loop3A_435, %parallel_loop3A_436, %parallel_loop3A_437] {strides = array<i32>} : memref<8x8x1024xf32, #tpu.memory_space<vmem>>, vector<1x1x16xf32>,
        %parallel_loop3A_439 = vector.shape_cast %parallel_loop3A_438 : vector<1x1x16xf32> to vector<16xf32>
        %parallel_loop3A_440 = vector.shape_cast %parallel_loop3A_433 : vector<16xf32> to vector<1x1x16xf32>
        tpu.vector_store %arg8[%parallel_loop3A_435, %parallel_loop3A_436, %parallel_loop3A_437], %parallel_loop3A_440 {add = true, strides = array<i32>} : memref<8x8x1024xf32, #tpu.memory_space<vmem>>, vector<1x1x16xf32>,
        %parallel_loop3A_441 = arith.constant 3 : i32
        %parallel_loop3A_442 = arith.index_cast %rem3A_228 : i32 to index
        %parallel_loop3A_443 = arith.index_cast %parallel_loop3A_441 : i32 to index
        %parallel_loop3A_444 = arith.index_cast %parallel_loop3A_401 : i32 to index
        %parallel_loop3A_445 = tpu.vector_load %arg7[%parallel_loop3A_442, %parallel_loop3A_443, %parallel_loop3A_444] {strides = array<i32>} : memref<2x8x1024xf32, #tpu.memory_space<vmem>>, vector<1x1x16xf32>,
        %parallel_loop3A_446 = vector.shape_cast %parallel_loop3A_445 : vector<1x1x16xf32> to vector<16xf32>
        %parallel_loop3A_447 = arith.constant 3 : i32
        %parallel_loop3A_448 = arith.index_cast %rem3A_226 : i32 to index
        %parallel_loop3A_449 = arith.index_cast %parallel_loop3A_447 : i32 to index
        %parallel_loop3A_450 = arith.index_cast %parallel_loop3A_401 : i32 to index
        %parallel_loop3A_451 = tpu.vector_load %arg8[%parallel_loop3A_448, %parallel_loop3A_449, %parallel_loop3A_450] {strides = array<i32>} : memref<8x8x1024xf32, #tpu.memory_space<vmem>>, vector<1x1x16xf32>,
        %parallel_loop3A_452 = vector.shape_cast %parallel_loop3A_451 : vector<1x1x16xf32> to vector<16xf32>
        %parallel_loop3A_453 = vector.shape_cast %parallel_loop3A_446 : vector<16xf32> to vector<1x1x16xf32>
        tpu.vector_store %arg8[%parallel_loop3A_448, %parallel_loop3A_449, %parallel_loop3A_450], %parallel_loop3A_453 {add = true, strides = array<i32>} : memref<8x8x1024xf32, #tpu.memory_space<vmem>>, vector<1x1x16xf32>,
        %parallel_loop3A_454 = arith.constant 4 : i32
        %parallel_loop3A_455 = arith.index_cast %rem3A_228 : i32 to index
        %parallel_loop3A_456 = arith.index_cast %parallel_loop3A_454 : i32 to index
        %parallel_loop3A_457 = arith.index_cast %parallel_loop3A_401 : i32 to index
        %parallel_loop3A_458 = tpu.vector_load %arg7[%parallel_loop3A_455, %parallel_loop3A_456, %parallel_loop3A_457] {strides = array<i32>} : memref<2x8x1024xf32, #tpu.memory_space<vmem>>, vector<1x1x16xf32>,
        %parallel_loop3A_459 = vector.shape_cast %parallel_loop3A_458 : vector<1x1x16xf32> to vector<16xf32>
        %parallel_loop3A_460 = arith.constant 4 : i32
        %parallel_loop3A_461 = arith.index_cast %rem3A_226 : i32 to index
        %parallel_loop3A_462 = arith.index_cast %parallel_loop3A_460 : i32 to index
        %parallel_loop3A_463 = arith.index_cast %parallel_loop3A_401 : i32 to index
        %parallel_loop3A_464 = tpu.vector_load %arg8[%parallel_loop3A_461, %parallel_loop3A_462, %parallel_loop3A_463] {strides = array<i32>} : memref<8x8x1024xf32, #tpu.memory_space<vmem>>, vector<1x1x16xf32>,
        %parallel_loop3A_465 = vector.shape_cast %parallel_loop3A_464 : vector<1x1x16xf32> to vector<16xf32>
        %parallel_loop3A_466 = vector.shape_cast %parallel_loop3A_459 : vector<16xf32> to vector<1x1x16xf32>
        tpu.vector_store %arg8[%parallel_loop3A_461, %parallel_loop3A_462, %parallel_loop3A_463], %parallel_loop3A_466 {add = true, strides = array<i32>} : memref<8x8x1024xf32, #tpu.memory_space<vmem>>, vector<1x1x16xf32>,
        %parallel_loop3A_467 = arith.constant 5 : i32
        %parallel_loop3A_468 = arith.index_cast %rem3A_228 : i32 to index
        %parallel_loop3A_469 = arith.index_cast %parallel_loop3A_467 : i32 to index
        %parallel_loop3A_470 = arith.index_cast %parallel_loop3A_401 : i32 to index
        %parallel_loop3A_471 = tpu.vector_load %arg7[%parallel_loop3A_468, %parallel_loop3A_469, %parallel_loop3A_470] {strides = array<i32>} : memref<2x8x1024xf32, #tpu.memory_space<vmem>>, vector<1x1x16xf32>,
        %parallel_loop3A_472 = vector.shape_cast %parallel_loop3A_471 : vector<1x1x16xf32> to vector<16xf32>
        %parallel_loop3A_473 = arith.constant 5 : i32
        %parallel_loop3A_474 = arith.index_cast %rem3A_226 : i32 to index
        %parallel_loop3A_475 = arith.index_cast %parallel_loop3A_473 : i32 to index
        %parallel_loop3A_476 = arith.index_cast %parallel_loop3A_401 : i32 to index
        %parallel_loop3A_477 = tpu.vector_load %arg8[%parallel_loop3A_474, %parallel_loop3A_475, %parallel_loop3A_476] {strides = array<i32>} : memref<8x8x1024xf32, #tpu.memory_space<vmem>>, vector<1x1x16xf32>,
        %parallel_loop3A_478 = vector.shape_cast %parallel_loop3A_477 : vector<1x1x16xf32> to vector<16xf32>
        %parallel_loop3A_479 = vector.shape_cast %parallel_loop3A_472 : vector<16xf32> to vector<1x1x16xf32>
        tpu.vector_store %arg8[%parallel_loop3A_474, %parallel_loop3A_475, %parallel_loop3A_476], %parallel_loop3A_479 {add = true, strides = array<i32>} : memref<8x8x1024xf32, #tpu.memory_space<vmem>>, vector<1x1x16xf32>,
        %parallel_loop3A_480 = arith.constant 6 : i32
        %parallel_loop3A_481 = arith.index_cast %rem3A_228 : i32 to index
        %parallel_loop3A_482 = arith.index_cast %parallel_loop3A_480 : i32 to index
        %parallel_loop3A_483 = arith.index_cast %parallel_loop3A_401 : i32 to index
        %parallel_loop3A_484 = tpu.vector_load %arg7[%parallel_loop3A_481, %parallel_loop3A_482, %parallel_loop3A_483] {strides = array<i32>} : memref<2x8x1024xf32, #tpu.memory_space<vmem>>, vector<1x1x16xf32>,
        %parallel_loop3A_485 = vector.shape_cast %parallel_loop3A_484 : vector<1x1x16xf32> to vector<16xf32>
        %parallel_loop3A_486 = arith.constant 6 : i32
        %parallel_loop3A_487 = arith.index_cast %rem3A_226 : i32 to index
        %parallel_loop3A_488 = arith.index_cast %parallel_loop3A_486 : i32 to index
        %parallel_loop3A_489 = arith.index_cast %parallel_loop3A_401 : i32 to index
        %parallel_loop3A_490 = tpu.vector_load %arg8[%parallel_loop3A_487, %parallel_loop3A_488, %parallel_loop3A_489] {strides = array<i32>} : memref<8x8x1024xf32, #tpu.memory_space<vmem>>, vector<1x1x16xf32>,
        %parallel_loop3A_491 = vector.shape_cast %parallel_loop3A_490 : vector<1x1x16xf32> to vector<16xf32>
        %parallel_loop3A_492 = vector.shape_cast %parallel_loop3A_485 : vector<16xf32> to vector<1x1x16xf32>
        tpu.vector_store %arg8[%parallel_loop3A_487, %parallel_loop3A_488, %parallel_loop3A_489], %parallel_loop3A_492 {add = true, strides = array<i32>} : memref<8x8x1024xf32, #tpu.memory_space<vmem>>, vector<1x1x16xf32>,
        %parallel_loop3A_493 = arith.constant 7 : i32
        %parallel_loop3A_494 = arith.index_cast %rem3A_228 : i32 to index
        %parallel_loop3A_495 = arith.index_cast %parallel_loop3A_493 : i32 to index
        %parallel_loop3A_496 = arith.index_cast %parallel_loop3A_401 : i32 to index
        %parallel_loop3A_497 = tpu.vector_load %arg7[%parallel_loop3A_494, %parallel_loop3A_495, %parallel_loop3A_496] {strides = array<i32>} : memref<2x8x1024xf32, #tpu.memory_space<vmem>>, vector<1x1x16xf32>,
        %parallel_loop3A_498 = vector.shape_cast %parallel_loop3A_497 : vector<1x1x16xf32> to vector<16xf32>
        %parallel_loop3A_499 = arith.constant 7 : i32
        %parallel_loop3A_500 = arith.index_cast %rem3A_226 : i32 to index
        %parallel_loop3A_501 = arith.index_cast %parallel_loop3A_499 : i32 to index
        %parallel_loop3A_502 = arith.index_cast %parallel_loop3A_401 : i32 to index
        %parallel_loop3A_503 = tpu.vector_load %arg8[%parallel_loop3A_500, %parallel_loop3A_501, %parallel_loop3A_502] {strides = array<i32>} : memref<8x8x1024xf32, #tpu.memory_space<vmem>>, vector<1x1x16xf32>,
        %parallel_loop3A_504 = vector.shape_cast %parallel_loop3A_503 : vector<1x1x16xf32> to vector<16xf32>
        %parallel_loop3A_505 = vector.shape_cast %parallel_loop3A_498 : vector<16xf32> to vector<1x1x16xf32>
        tpu.vector_store %arg8[%parallel_loop3A_500, %parallel_loop3A_501, %parallel_loop3A_502], %parallel_loop3A_505 {add = true, strides = array<i32>} : memref<8x8x1024xf32, #tpu.memory_space<vmem>>, vector<1x1x16xf32>,
      } {sc.loop_unroll_factor = 8 : i64, sc.parallel_access}
      %jit3A_326 = arith.constant 4 : i32
      %div3A_327 = arith.divsi %scan3A_177, %jit3A_326 : i32
      %sign3A_328 = arith.constant 0 : i32
      %sign3A_329 = arith.cmpi sgt, %scan3A_177, %sign3A_328 : i32
      %sign3A_330 = arith.extui %sign3A_329 : i1 to i32
      %sign3A_331 = arith.constant 0 : i32
      %sign3A_332 = arith.cmpi slt, %scan3A_177, %sign3A_331 : i32
      %sign3A_333 = arith.extui %sign3A_332 : i1 to i32
      %sign3A_334 = arith.subi %sign3A_330, %sign3A_333 : i32
      %sign3A_335 = arith.constant 0 : i32
      %sign3A_336 = arith.cmpi sgt, %jit3A_326, %sign3A_335 : i32
      %sign3A_337 = arith.extui %sign3A_336 : i1 to i32
      %sign3A_338 = arith.constant 0 : i32
      %sign3A_339 = arith.cmpi slt, %jit3A_326, %sign3A_338 : i32
      %sign3A_340 = arith.extui %sign3A_339 : i1 to i32
      %sign3A_341 = arith.subi %sign3A_337, %sign3A_340 : i32
      %ne3A_342 = arith.cmpi ne, %sign3A_334, %sign3A_341 : i32
      %rem3A_343 = arith.remsi %scan3A_177, %jit3A_326 : i32
      %ne3A_344 = arith.constant 0 : i32
      %ne3A_345 = arith.cmpi ne, %rem3A_343, %ne3A_344 : i32
      %and3A_346 = arith.andi %ne3A_342, %ne3A_345 : i1
      %sub3A_347 = arith.constant 1 : i32
      %sub3A_348 = arith.subi %div3A_327, %sub3A_347 : i32
      %select_n3A_349 = arith.select %and3A_346, %sub3A_348, %div3A_327 : i32
      %mul3A_350 = arith.constant 4 : i32
      %mul3A_351 = arith.muli %select_n3A_349, %mul3A_350 : i32
      %sub3A_352 = arith.subi %scan3A_177, %mul3A_351 : i32
      %jit3A_353 = arith.constant 4 : i32
      %div3A_354 = arith.divsi %select_n3A_349, %jit3A_353 : i32
      %sign3A_355 = arith.constant 0 : i32
      %sign3A_356 = arith.cmpi sgt, %select_n3A_349, %sign3A_355 : i32
      %sign3A_357 = arith.extui %sign3A_356 : i1 to i32
      %sign3A_358 = arith.constant 0 : i32
      %sign3A_359 = arith.cmpi slt, %select_n3A_349, %sign3A_358 : i32
      %sign3A_360 = arith.extui %sign3A_359 : i1 to i32
      %sign3A_361 = arith.subi %sign3A_357, %sign3A_360 : i32
      %sign3A_362 = arith.constant 0 : i32
      %sign3A_363 = arith.cmpi sgt, %jit3A_353, %sign3A_362 : i32
      %sign3A_364 = arith.extui %sign3A_363 : i1 to i32
      %sign3A_365 = arith.constant 0 : i32
      %sign3A_366 = arith.cmpi slt, %jit3A_353, %sign3A_365 : i32
      %sign3A_367 = arith.extui %sign3A_366 : i1 to i32
      %sign3A_368 = arith.subi %sign3A_364, %sign3A_367 : i32
      %ne3A_369 = arith.cmpi ne, %sign3A_361, %sign3A_368 : i32
      %rem3A_370 = arith.remsi %select_n3A_349, %jit3A_353 : i32
      %ne3A_371 = arith.constant 0 : i32
      %ne3A_372 = arith.cmpi ne, %rem3A_370, %ne3A_371 : i32
      %and3A_373 = arith.andi %ne3A_369, %ne3A_372 : i1
      %sub3A_374 = arith.constant 1 : i32
      %sub3A_375 = arith.subi %div3A_354, %sub3A_374 : i32
      %select_n3A_376 = arith.select %and3A_373, %sub3A_375, %div3A_354 : i32
      %mul3A_377 = arith.constant 4 : i32
      %mul3A_378 = arith.muli %select_n3A_376, %mul3A_377 : i32
      %sub3A_379 = arith.subi %select_n3A_349, %mul3A_378 : i32
      %rem3A_380 = arith.constant 8 : i32
      %rem3A_381 = arith.remsi %scan3A_177, %rem3A_380 : i32
      %mul3A_382 = arith.constant 8 : i32
      %mul3A_383 = arith.muli %select_n3A_376, %mul3A_382 : i32
      %add3A_384 = arith.addi %mul3A_2, %mul3A_383 : i32
      %mul3A_385 = arith.constant 1024 : i32
      %mul3A_386 = arith.muli %sub3A_379, %mul3A_385 : i32
      %dma_start3A_387 = arith.constant 0 : i32
      %dma_start3A_388 = arith.constant 0 : i32
      %dma_start3A_389 = tpu.memref_slice %arg8[%rem3A_381, %dma_start3A_387, %dma_start3A_388] : memref<8x8x1024xf32, #tpu.memory_space<vmem>> -> memref<1x8x1024xf32, #tpu.memory_space<vmem>>
      %dma_start3A_390 = tpu.memref_squeeze %dma_start3A_389 : memref<1x8x1024xf32, #tpu.memory_space<vmem>> -> memref<8x1024xf32, #tpu.memory_space<vmem>>
      %dma_start3A_391 = tpu.memref_slice %arg5[%sub3A_352, %add3A_384, %mul3A_386] : memref<4x2048x4096xf32, #tpu.memory_space<hbm>> -> memref<1x8x1024xf32, #tpu.memory_space<hbm>>
      %dma_start3A_392 = tpu.memref_squeeze %dma_start3A_391 : memref<1x8x1024xf32, #tpu.memory_space<hbm>> -> memref<8x1024xf32, #tpu.memory_space<hbm>>
      %dma_start3A_393 = tpu.memref_slice %arg5[%sub3A_352, %add3A_384, %mul3A_386] : memref<4x2048x4096xf32, #tpu.memory_space<hbm>> -> memref<1x8x1024xf32, #tpu.memory_space<hbm>>
      %dma_start3A_394 = tpu.memref_squeeze %dma_start3A_393 : memref<1x8x1024xf32, #tpu.memory_space<hbm>> -> memref<8x1024xf32, #tpu.memory_space<hbm>>
      %dma_start3A_395 = arith.constant 0 : i32
      %dma_start3A_396 = arith.constant 0 : i32
      %dma_start3A_397 = tpu.memref_slice %arg8[%rem3A_381, %dma_start3A_395, %dma_start3A_396] : memref<8x8x1024xf32, #tpu.memory_space<vmem>> -> memref<1x8x1024xf32, #tpu.memory_space<vmem>>
      %dma_start3A_398 = tpu.memref_squeeze %dma_start3A_397 : memref<1x8x1024xf32, #tpu.memory_space<vmem>> -> memref<8x1024xf32, #tpu.memory_space<vmem>>
      tpu.enqueue_dma source(%dma_start3A_398 : memref<8x1024xf32, #tpu.memory_space<vmem>>) target(%dma_start3A_394 : memref<8x1024xf32, #tpu.memory_space<hbm>>) target_semaphore(%arg11 : memref<!tpu.dma_semaphore, #tpu.memory_space<semaphore_mem>>)
    }
    %scan3A_97 = arith.constant 128 : i32
    %rem3A_98 = arith.constant 124 : i32
    %rem3A_99 = arith.constant 8 : i32
    %rem3A_100 = arith.remsi %rem3A_98, %rem3A_99 : i32
    %add3A_101 = arith.constant 56 : i32
    %add3A_102 = arith.addi %mul3A_2, %add3A_101 : i32
    %dma_wait3A = arith.constant 0 : i32
    %dma_wait3A_103 = arith.constant 0 : i32
    %dma_wait3A_104 = arith.constant 0 : i32
    %dma_wait3A_105 = tpu.memref_slice %arg8[%rem3A_100, %dma_wait3A_103, %dma_wait3A_104] : memref<8x8x1024xf32, #tpu.memory_space<vmem>> -> memref<1x8x1024xf32, #tpu.memory_space<vmem>>
    %dma_wait3A_106 = tpu.memref_squeeze %dma_wait3A_105 : memref<1x8x1024xf32, #tpu.memory_space<vmem>> -> memref<8x1024xf32, #tpu.memory_space<vmem>>
    %dma_wait3A_107 = arith.constant 3072 : i32
    %dma_wait3A_108 = tpu.memref_slice %arg5[%dma_wait3A, %add3A_102, %dma_wait3A_107] : memref<4x2048x4096xf32, #tpu.memory_space<hbm>> -> memref<1x8x1024xf32, #tpu.memory_space<hbm>>
    %dma_wait3A_109 = tpu.memref_squeeze %dma_wait3A_108 : memref<1x8x1024xf32, #tpu.memory_space<hbm>> -> memref<8x1024xf32, #tpu.memory_space<hbm>>
    %dma_wait3A_110 = arith.constant 3072 : i32
    %dma_wait3A_111 = tpu.memref_slice %arg5[%dma_wait3A, %add3A_102, %dma_wait3A_110] : memref<4x2048x4096xf32, #tpu.memory_space<hbm>> -> memref<1x8x1024xf32, #tpu.memory_space<hbm>>
    %dma_wait3A_112 = tpu.memref_squeeze %dma_wait3A_111 : memref<1x8x1024xf32, #tpu.memory_space<hbm>> -> memref<8x1024xf32, #tpu.memory_space<hbm>>
    %dma_wait3A_113 = arith.constant 0 : i32
    %dma_wait3A_114 = arith.constant 0 : i32
    %dma_wait3A_115 = tpu.memref_slice %arg8[%rem3A_100, %dma_wait3A_113, %dma_wait3A_114] : memref<8x8x1024xf32, #tpu.memory_space<vmem>> -> memref<1x8x1024xf32, #tpu.memory_space<vmem>>
    %dma_wait3A_116 = tpu.memref_squeeze %dma_wait3A_115 : memref<1x8x1024xf32, #tpu.memory_space<vmem>> -> memref<8x1024xf32, #tpu.memory_space<vmem>>
    tpu.wait_dma2 semaphore(%arg11 : memref<!tpu.dma_semaphore, #tpu.memory_space<semaphore_mem>>) src(%dma_wait3A_116 : memref<8x1024xf32, #tpu.memory_space<vmem>>) dst(%dma_wait3A_112 : memref<8x1024xf32, #tpu.memory_space<hbm>>)
    %rem3A_117 = arith.constant 125 : i32
    %rem3A_118 = arith.constant 8 : i32
    %rem3A_119 = arith.remsi %rem3A_117, %rem3A_118 : i32
    %add3A_120 = arith.constant 56 : i32
    %add3A_121 = arith.addi %mul3A_2, %add3A_120 : i32
    %dma_wait3A_122 = arith.constant 1 : i32
    %dma_wait3A_123 = arith.constant 0 : i32
    %dma_wait3A_124 = arith.constant 0 : i32
    %dma_wait3A_125 = tpu.memref_slice %arg8[%rem3A_119, %dma_wait3A_123, %dma_wait3A_124] : memref<8x8x1024xf32, #tpu.memory_space<vmem>> -> memref<1x8x1024xf32, #tpu.memory_space<vmem>>
    %dma_wait3A_126 = tpu.memref_squeeze %dma_wait3A_125 : memref<1x8x1024xf32, #tpu.memory_space<vmem>> -> memref<8x1024xf32, #tpu.memory_space<vmem>>
    %dma_wait3A_127 = arith.constant 3072 : i32
    %dma_wait3A_128 = tpu.memref_slice %arg5[%dma_wait3A_122, %add3A_121, %dma_wait3A_127] : memref<4x2048x4096xf32, #tpu.memory_space<hbm>> -> memref<1x8x1024xf32, #tpu.memory_space<hbm>>
    %dma_wait3A_129 = tpu.memref_squeeze %dma_wait3A_128 : memref<1x8x1024xf32, #tpu.memory_space<hbm>> -> memref<8x1024xf32, #tpu.memory_space<hbm>>
    %dma_wait3A_130 = arith.constant 3072 : i32
    %dma_wait3A_131 = tpu.memref_slice %arg5[%dma_wait3A_122, %add3A_121, %dma_wait3A_130] : memref<4x2048x4096xf32, #tpu.memory_space<hbm>> -> memref<1x8x1024xf32, #tpu.memory_space<hbm>>
    %dma_wait3A_132 = tpu.memref_squeeze %dma_wait3A_131 : memref<1x8x1024xf32, #tpu.memory_space<hbm>> -> memref<8x1024xf32, #tpu.memory_space<hbm>>
    %dma_wait3A_133 = arith.constant 0 : i32
    %dma_wait3A_134 = arith.constant 0 : i32
    %dma_wait3A_135 = tpu.memref_slice %arg8[%rem3A_119, %dma_wait3A_133, %dma_wait3A_134] : memref<8x8x1024xf32, #tpu.memory_space<vmem>> -> memref<1x8x1024xf32, #tpu.memory_space<vmem>>
    %dma_wait3A_136 = tpu.memref_squeeze %dma_wait3A_135 : memref<1x8x1024xf32, #tpu.memory_space<vmem>> -> memref<8x1024xf32, #tpu.memory_space<vmem>>
    tpu.wait_dma2 semaphore(%arg11 : memref<!tpu.dma_semaphore, #tpu.memory_space<semaphore_mem>>) src(%dma_wait3A_136 : memref<8x1024xf32, #tpu.memory_space<vmem>>) dst(%dma_wait3A_132 : memref<8x1024xf32, #tpu.memory_space<hbm>>)
    %rem3A_137 = arith.constant 126 : i32
    %rem3A_138 = arith.constant 8 : i32
    %rem3A_139 = arith.remsi %rem3A_137, %rem3A_138 : i32
    %add3A_140 = arith.constant 56 : i32
    %add3A_141 = arith.addi %mul3A_2, %add3A_140 : i32
    %dma_wait3A_142 = arith.constant 2 : i32
    %dma_wait3A_143 = arith.constant 0 : i32
    %dma_wait3A_144 = arith.constant 0 : i32
    %dma_wait3A_145 = tpu.memref_slice %arg8[%rem3A_139, %dma_wait3A_143, %dma_wait3A_144] : memref<8x8x1024xf32, #tpu.memory_space<vmem>> -> memref<1x8x1024xf32, #tpu.memory_space<vmem>>
    %dma_wait3A_146 = tpu.memref_squeeze %dma_wait3A_145 : memref<1x8x1024xf32, #tpu.memory_space<vmem>> -> memref<8x1024xf32, #tpu.memory_space<vmem>>
    %dma_wait3A_147 = arith.constant 3072 : i32
    %dma_wait3A_148 = tpu.memref_slice %arg5[%dma_wait3A_142, %add3A_141, %dma_wait3A_147] : memref<4x2048x4096xf32, #tpu.memory_space<hbm>> -> memref<1x8x1024xf32, #tpu.memory_space<hbm>>
    %dma_wait3A_149 = tpu.memref_squeeze %dma_wait3A_148 : memref<1x8x1024xf32, #tpu.memory_space<hbm>> -> memref<8x1024xf32, #tpu.memory_space<hbm>>
    %dma_wait3A_150 = arith.constant 3072 : i32
    %dma_wait3A_151 = tpu.memref_slice %arg5[%dma_wait3A_142, %add3A_141, %dma_wait3A_150] : memref<4x2048x4096xf32, #tpu.memory_space<hbm>> -> memref<1x8x1024xf32, #tpu.memory_space<hbm>>
    %dma_wait3A_152 = tpu.memref_squeeze %dma_wait3A_151 : memref<1x8x1024xf32, #tpu.memory_space<hbm>> -> memref<8x1024xf32, #tpu.memory_space<hbm>>
    %dma_wait3A_153 = arith.constant 0 : i32
    %dma_wait3A_154 = arith.constant 0 : i32
    %dma_wait3A_155 = tpu.memref_slice %arg8[%rem3A_139, %dma_wait3A_153, %dma_wait3A_154] : memref<8x8x1024xf32, #tpu.memory_space<vmem>> -> memref<1x8x1024xf32, #tpu.memory_space<vmem>>
    %dma_wait3A_156 = tpu.memref_squeeze %dma_wait3A_155 : memref<1x8x1024xf32, #tpu.memory_space<vmem>> -> memref<8x1024xf32, #tpu.memory_space<vmem>>
    tpu.wait_dma2 semaphore(%arg11 : memref<!tpu.dma_semaphore, #tpu.memory_space<semaphore_mem>>) src(%dma_wait3A_156 : memref<8x1024xf32, #tpu.memory_space<vmem>>) dst(%dma_wait3A_152 : memref<8x1024xf32, #tpu.memory_space<hbm>>)
    %rem3A_157 = arith.constant 127 : i32
    %rem3A_158 = arith.constant 8 : i32
    %rem3A_159 = arith.remsi %rem3A_157, %rem3A_158 : i32
    %add3A_160 = arith.constant 56 : i32
    %add3A_161 = arith.addi %mul3A_2, %add3A_160 : i32
    %dma_wait3A_162 = arith.constant 3 : i32
    %dma_wait3A_163 = arith.constant 0 : i32
    %dma_wait3A_164 = arith.constant 0 : i32
    %dma_wait3A_165 = tpu.memref_slice %arg8[%rem3A_159, %dma_wait3A_163, %dma_wait3A_164] : memref<8x8x1024xf32, #tpu.memory_space<vmem>> -> memref<1x8x1024xf32, #tpu.memory_space<vmem>>
    %dma_wait3A_166 = tpu.memref_squeeze %dma_wait3A_165 : memref<1x8x1024xf32, #tpu.memory_space<vmem>> -> memref<8x1024xf32, #tpu.memory_space<vmem>>
    %dma_wait3A_167 = arith.constant 3072 : i32
    %dma_wait3A_168 = tpu.memref_slice %arg5[%dma_wait3A_162, %add3A_161, %dma_wait3A_167] : memref<4x2048x4096xf32, #tpu.memory_space<hbm>> -> memref<1x8x1024xf32, #tpu.memory_space<hbm>>
    %dma_wait3A_169 = tpu.memref_squeeze %dma_wait3A_168 : memref<1x8x1024xf32, #tpu.memory_space<hbm>> -> memref<8x1024xf32, #tpu.memory_space<hbm>>
    %dma_wait3A_170 = arith.constant 3072 : i32
    %dma_wait3A_171 = tpu.memref_slice %arg5[%dma_wait3A_162, %add3A_161, %dma_wait3A_170] : memref<4x2048x4096xf32, #tpu.memory_space<hbm>> -> memref<1x8x1024xf32, #tpu.memory_space<hbm>>
    %dma_wait3A_172 = tpu.memref_squeeze %dma_wait3A_171 : memref<1x8x1024xf32, #tpu.memory_space<hbm>> -> memref<8x1024xf32, #tpu.memory_space<hbm>>
    %dma_wait3A_173 = arith.constant 0 : i32
    %dma_wait3A_174 = arith.constant 0 : i32
    %dma_wait3A_175 = tpu.memref_slice %arg8[%rem3A_159, %dma_wait3A_173, %dma_wait3A_174] : memref<8x8x1024xf32, #tpu.memory_space<vmem>> -> memref<1x8x1024xf32, #tpu.memory_space<vmem>>
    %dma_wait3A_176 = tpu.memref_squeeze %dma_wait3A_175 : memref<1x8x1024xf32, #tpu.memory_space<vmem>> -> memref<8x1024xf32, #tpu.memory_space<vmem>>
    tpu.wait_dma2 semaphore(%arg11 : memref<!tpu.dma_semaphore, #tpu.memory_space<semaphore_mem>>) src(%dma_wait3A_176 : memref<8x1024xf32, #tpu.memory_space<vmem>>) dst(%dma_wait3A_172 : memref<8x1024xf32, #tpu.memory_space<hbm>>)
    return
  }
}

</mosaic_0001>

<sc_bundles>
// kernel: kernel.3.cloned.1.call-start
scs
__scs_entry_jumppad:
0x0: {  	(pc) =	sbr.rel $0x88, $3  }
0x1: {  	(tag) =	ssettag $0x0;
	lr =	simm.s32 $0x1  }
0x2: {  	[smem:$0x3F9E] =	sst lr;
	_ =	strace $0xD0000000  }
0x3: {  	_ = 	snop  }
0x4: {  	_ = 	snop  }
0x5: {  	_ = 	snop  }
0x6: {  	_ = 	snop  }
0x7: {  	_ = 	snop  }
__scs_overlays_trampoline_lowered:
0x8: {  	[smem:$0x3FAD] =	sst s0  }
0x9: {  	[smem:$0x3FAE] =	sst s1  }
0xa: {  	[smem:$0x3FAF] =	sst s2  }
0xb: {  	[smem:$0x3FB0] =	sst s3  }
0xc: {  	[smem:$0x3FB1] =	sst s4  }
0xd: {  	[smem:$0x3FB2] =	sst s5  }
0xe: {  	[smem:$0x3FB3] =	sst s6  }
0xf: {  	[smem:$0x3FB4] =	sst s7  }
0x10: {  	[smem:$0x3FB5] =	sst s8  }
0x11: {  	[smem:$0x3FB6] =	sst s9;
	s0 =	simm.s32 @!p0 $0x0  }
0x12: {  	s1 =	sld [smem:$0x3F9C];
	s0 =	simm.s32 @p0 $0x1  }
0x13: {  	[smem:$0x3FB7] =	sst s0;
	s0 =	simm.s32 @!p1 $0x0  }
0x14: {  	s2 =	sld [smem:$0x3F9B];
	s0 =	simm.s32 @p1 $0x1  }
0x15: {  	[smem:$0x3FB8] =	sst s0;
	s0 =	simm.s32 @!p2 $0x0  }
0x16: {  	s3 =	sld [smem:$0x3FDB];
	s0 =	simm.s32 @p2 $0x1  }
0x17: {  	s4 =	simm.s32 $0x1BF5;
	[smem:$0x3FBA] =	sst s0  }
0x18: {  	s0 =	sld [smem:$0x3F9D];
	_ =	swait.ge [sflag:s4], $0x0  }
0x19: {  	s7 =	sld [smem:$0x3F9E]  }
0x1a: {  	s8 =	sadd.s32 $0xFFFFE003, lr  }
0x1b: {  	s9 =	sadd.s32 $0xFFFFFEF7, lr;
	s5 =	simm.s32 $0xFFFFFFFF;
	p2 =	slt.u32 s8, $0xFFFFF086  }
0x1c: {  	p1 =	slt.u32 s9, $0xF7A;
	s5 =	simm.s32 @!p2 $0x0  }
0x1d: {  	s5 =	simm.s32 @p1 $0x1;
	p0 =	seq.s32 s7, s2  }
0x1e: {  	s7 =	smul.u32 @!p0 $0xF7A, s2;
	p2 =	seq.s32 @!p0 s5, $0x0  }
0x1f: {  	s9 =	smul.u32 $0xF7A, s1;
	s8 =	simm.s32 @!p0 $0x1BF5;
	p2 =	por !p2, p0  }
0x20: {  	[sflag:s8] =	ssyncset.s32 @!p0 $0xFFFFF086;
	s6 =	sadd.s32 @!p0 s3, s7;
	s7 =	simm.s32 @!p0 $0x108  }
0x21: {  	s3 =	sadd.s32 s3, s9;
	s6 =	sadd.s32 @!p0 $0x88, s6;
	s7 =	simm.s32 @p2 $0x1082  }
0x22: {  	[simem:s7], [sflag:s8] =	dma.local @!p0 [hbm:s6], $0xF7A  }
0x23: {  	s9 =	sor.u32 $0xD0000000, s2;
	s6 =	simm.s32 $0x108;
	_ =	swait.ge @!p0 [sflag:s8], $0x0  }
0x24: {  	s3 =	sadd.s32 $0x88, s3;
	s6 =	simm.s32 @!p1 $0x1082;
	[sflag:s4] =	ssyncset.s32 $0xFFFFF086  }
0x25: {  	[simem:s6], [sflag:s4] =	dma.local [hbm:s3], $0xF7A  }
0x26: {  	[smem:$0x3F9E] =	sst s1;
	(tag) =	ssettag s2;
	_ =	strace s9  }
0x27: {  	s1 =	sld [smem:$0x3FAE]  }
0x28: {  	s2 =	sld [smem:$0x3FAF]  }
0x29: {  	s4 =	sld [smem:$0x3FB1]  }
0x2a: {  	p0 =	seq.s32 s5, $0x0;
	s5 =	sld [smem:$0x3FB2]  }
0x2b: {  	s6 =	sld [smem:$0x3FB3]  }
0x2c: {  	s7 =	sld [smem:$0x3FB4]  }
0x2d: {  	s3 =	simm.s32 $0x108;
	s8 =	sld [smem:$0x3FB5]  }
0x2e: {  	s3 =	simm.s32 @!p0 $0x1082;
	s9 =	sld [smem:$0x3FB6]  }
0x2f: {  	lr =	sadd.s32 s0, s3;
	s0 =	sld [smem:$0x3FAD]  }
0x30: {  	s3 =	sld [smem:$0x3FB0]  }
0x31: {  	[smem:$0x3FB9] =	sst s10  }
0x32: {  	s10 =	sld [smem:$0x3FB7];
	_ =	sdelay $0x3  }
0x33: {  	p0 =	seq.s32 s10, $0x1;
	s10 =	sld [smem:$0x3FB9];
	_ =	sdelay $0x3  }
0x34: {  	[smem:$0x3FB9] =	sst s10  }
0x35: {  	s10 =	sld [smem:$0x3FB8];
	_ =	sdelay $0x3  }
0x36: {  	p1 =	seq.s32 s10, $0x1;
	s10 =	sld [smem:$0x3FB9];
	_ =	sdelay $0x3  }
0x37: {  	[smem:$0x3FB9] =	sst s10  }
0x38: {  	s10 =	sld [smem:$0x3FBA]  }
0x39: {  	_ = 	snop;
	(pc) =	sbr.ind lr, $3  }
0x3a: {  	_ = 	snop  }
0x3b: {  	_ = 	snop  }
0x3c: {  	p2 =	seq.s32 s10, $0x1;
	s10 =	sld [smem:$0x3FB9]  }
0x3d: {  	_ =	shalt  }
0x3e: {  	_ =	shalt  }
0x3f: {  	_ =	shalt  }
0x40: {  	_ =	shalt  }
0x41: {  	_ =	shalt  }
0x42: {  	_ =	shalt  }
0x43: {  	_ =	shalt  }
0x44: {  	_ =	shalt  }
0x45: {  	_ =	shalt  }
0x46: {  	_ =	shalt  }
0x47: {  	_ =	shalt  }
0x48: {  	_ =	shalt  }
0x49: {  	_ =	shalt  }
0x4a: {  	_ =	shalt  }
0x4b: {  	_ =	shalt  }
0x4c: {  	_ =	shalt  }
0x4d: {  	_ =	shalt  }
0x4e: {  	_ =	shalt  }
0x4f: {  	_ =	shalt  }
0x50: {  	_ =	shalt  }
0x51: {  	_ =	shalt  }
0x52: {  	_ =	shalt  }
0x53: {  	_ =	shalt  }
0x54: {  	_ =	shalt  }
0x55: {  	_ =	shalt  }
0x56: {  	_ =	shalt  }
0x57: {  	_ =	shalt  }
0x58: {  	_ =	shalt  }
0x59: {  	_ =	shalt  }
0x5a: {  	_ =	shalt  }
0x5b: {  	_ =	shalt  }
0x5c: {  	_ =	shalt  }
0x5d: {  	_ =	shalt  }
0x5e: {  	_ =	shalt  }
0x5f: {  	_ =	shalt  }
0x60: {  	_ =	shalt  }
0x61: {  	_ =	shalt  }
0x62: {  	_ =	shalt  }
0x63: {  	_ =	shalt  }
0x64: {  	_ =	shalt  }
0x65: {  	_ =	shalt  }
0x66: {  	_ =	shalt  }
0x67: {  	_ =	shalt  }
0x68: {  	_ =	shalt  }
0x69: {  	_ =	shalt  }
0x6a: {  	_ =	shalt  }
0x6b: {  	_ =	shalt  }
0x6c: {  	_ =	shalt  }
0x6d: {  	_ =	shalt  }
0x6e: {  	_ =	shalt  }
0x6f: {  	_ =	shalt  }
0x70: {  	_ =	shalt  }
0x71: {  	_ =	shalt  }
0x72: {  	_ =	shalt  }
0x73: {  	_ =	shalt  }
0x74: {  	_ =	shalt  }
0x75: {  	_ =	shalt  }
0x76: {  	_ =	shalt  }
0x77: {  	_ =	shalt  }
0x78: {  	_ =	shalt  }
0x79: {  	_ =	shalt  }
0x7a: {  	_ =	shalt  }
0x7b: {  	_ =	shalt  }
0x7c: {  	_ =	shalt  }
0x7d: {  	_ =	shalt  }
0x7e: {  	_ =	shalt  }
0x7f: {  	_ =	shalt  }
0x80: {  	_ =	shalt  }
0x81: {  	_ =	shalt  }
0x82: {  	_ =	shalt  }
0x83: {  	_ =	shalt  }
0x84: {  	_ =	shalt  }
0x85: {  	_ =	shalt  }
0x86: {  	_ =	shalt  }
0x87: {  	_ =	shalt  }
.Lfunc_end0:
.L_simem_size_0:
called_computation_lowered:
.L_overlay_start_0:
0x88: {  	s2 =	sld [smem:$0x3FD9]  }
0x89: {  	s3 =	sld [smem:$0x3FFE];
	_ =	sdelay $0x1  }
0x8a: {  	s1 =	srdreg.scid  }
0x8b: {  	s0 =	sand.u32 $0x1, s1  }
0x8c: {  	s18 =	sshll.u32 s0, $0xA;
	s2 =	sadd.s32 s3, s2  }
0x8d: {  	s2 =	sadd.s32 s2, s18  }
0x8e: {  	[smem:$0x3FC5] =	sst s2  }
0x8f: {  	_ = 	snop  }
0x90: {  	s2 =	sld [smem:$0x3FC9]  }
0x91: {  	s19 =	sld [smem:$0x3FC8]  }
0x92: {  	s4 =	sld [smem:$0x3FC7]  }
0x93: {  	s5 =	sld [smem:$0x3FD0];
	(tm) =	ssettm $0x1  }
0x94: {  	s6 =	sld [smem:$0x3FFB];
	_ =	sdelay $0x3  }
0x95: {  	_ =	strace s6  }
0x96: {  	s6 =	sld [smem:$0x3FFC];
	_ =	sdelay $0x3  }
0x97: {  	_ =	strace s6  }
0x98: {  	s6 =	sld [smem:$0x3FFD];
	_ =	sdelay $0x3  }
0x99: {  	_ =	strace s6  }
0x9a: {  	_ =	strace $0x8FFFFFFF  }
0x9b: {  	s20 =	sld [smem:$0x3FDB];
	_ =	sdelay $0x1  }
0x9c: {  	s7 =	simm.s32 $_scs_section_size  }
0x9d: {  	s8 =	simm.s32 $_size__tile_overlayer_lowered;
	s9 =	simm.s32 $_tile_overlayer_lowered  }
0x9e: {  	s23 =	simm.s32 $0x1BFF;
	s22 =	sshll.u32 s9, $0x1;
	s6 =	sadd.s32 s7, s20  }
0x9f: {  	s10 =	simm.s32 $0x0;
	s21 =	sshll.u32 s8, $0x1;
	s8 =	sadd.s32 s22, s6  }
0xa0: {  	[timem:s10], [sflag:s23] =	dma.local [hbm:s8], s21  }
0xa1: {  	_ =	swait.ge [sflag:s23], s21  }
0xa2: {  	s7 =	ssub.s32 $0x0, s21;
	[sflag:s23] =	ssyncset.done $0x0  }
0xa3: {  	[sflag:s23] =	ssyncadd.s32 s7;
	_ =	sdelay $0x1  }
0xa4: {  	s24 =	simm.s32 $0x1B8B  }
0xa5: {  	_ =	swait.ge [sflag:s24], $0x1  }
0xa6: {  	[sflag:s24] =	ssyncset.done $0x0  }
0xa7: {  	s25 =	simm.s32 $0x1B8E;
	[sflag:s24] =	ssyncadd.s32 $0xFFFFFFFF  }
0xa8: {  	s26 =	simm.s32 $execute0_lowered;
	[smem:$0x3FD2] =	sst s25  }
0xa9: {  	s7 =	sshll.u32 s26, $0x1;
	_ =	strace $0x80000046;
	[dreg:$0x1] =	wrdreg $0xFFFFFFFF  }
0xaa: {  	s28 =	simm.s32 $_size_execute0_lowered;
	s6 =	sadd.s32 s6, s7;
	[dreg:$0x0] =	wrdreg $0x0  }
0xab: {  	s7 =	sshll.u32 s28, $0x1;
	[dreg:$0x2] =	wrdreg s6  }
0xac: {  	[dreg:$0x3] =	wrdreg s7  }
0xad: {  	[dreg:$0x4] =	wrdreg $0xC0  }
0xae: {  	_ =	task [dreg:s10], $0x5FFFF  }
0xaf: {  	[dreg:$0x1] =	wrdreg $0xFFFFFFFF  }
0xb0: {  	[dreg:$0x0] =	wrdreg $0x60  }
0xb1: {  	[dreg:$0x2] =	wrdreg s2  }
0xb2: {  	[dreg:$0x3] =	wrdreg s19  }
0xb3: {  	[dreg:$0x4] =	wrdreg s4  }
0xb4: {  	[dreg:$0x5] =	wrdreg s5  }
0xb5: {  	[dreg:$0x6] =	wrdreg $0x9  }
0xb6: {  	_ =	task.clear_ibuf [dreg:s10], $0x7FFFF;
	_ =	strace $0x90000046  }
0xb7: {  	s29 =	simm.s32 $0x9;
	_ =	strace $0x80000048  }
0xb8: {  	_ =	swait.ge [sflag:s29], $0x1  }
0xb9: {  	[sflag:s29] =	ssyncadd.s32 $0xFFFFFFFF  }
0xba: {  	_ =	strace $0x90000048  }
0xbb: {  	_ =	sfence  }
0xbc: {  	s30 =	sld [smem:$0x0];
	_ =	sdelay $0x2  }
0xbd: {  	s31 =	sshll.u32 s1, $0xD;
	s1 =	sshrl.u32 s1, $0x2  }
0xbe: {  	s3 =	sand.u32 $0x4000, s31;
	s1 =	sadd.s32 s1, s30  }
0xbf: {  	s0 =	sor.u32 s3, s0;
	s1 =	sshll.u32 s1, $0x11  }
0xc0: {  	s0 =	sor.u32 s1, s0  }
0xc1: {  	s0 =	sadd.s32 $0x8F2B, s0  }
0xc2: {  	[sflag:s0] =	ssyncadd.remote.s32 $0x1  }
0xc3: {  	_ =	sfence.sel $0xFFFF  }
0xc4: {  	[dreg:$0x0] =	wrdreg $0xFFFFFFFF;
	(pc) =	sbr.abs _section_cstart, $3  }
0xc5: {  	[dreg:$0x1] =	wrdreg $0xFFFFFFFF  }
0xc6: {  	_ =	task.clear_ibuf [dreg:s10], $0x2FFFF;
	_ =	strace $0x9FFFFFFF  }
0xc7: {  	(tm) =	ssettm $0x7FFFFFFF  }
tec
execute0_lowered:
.L_overlay_start_1:
0x0: {  	(tag) =	ssettag $0x1  }
0x1: {  	s1 =	rddreg [dreg:$0x0]  }
0x2: {  	s2 =	rddreg [dreg:$0x1]  }
0x3: {  	s0 =	rddreg [dreg:$0x2]  }
0x4: {  	s4 =	rddreg [dreg:$0x3]  }
0x5: {  	s3 =	srdreg.scid;
	s6 =	stileid.u32;
	s5 =	simm.s32 $0x0  }
0x6: {  	s16 =	simm.s32 $0x4;
	s23 =	simm.s32 $0x8080;
	s24 =	simm.s32 $0xA080  }
0x7: {  	s25 =	simm.s32 $0x1;
	s26 =	simm.s32 $0x3;
	s28 =	simm.s32 $0x2  }
0x8: {  	s29 =	simm.s32 $0x0;
	s3 =	sand.u32 $0x1, s3;
	s6 =	sshll.u32 s6, $0x7  }
0x9: {  	[smem:$0x7FF] =	sst s5;
	s9 =	sadd.s32 $0x200, s2;
	s7 =	sshll.u32 s3, $0x6  }
0xa: {  	s11 =	sadd.s32 $0x300, s2;
	s3 =	ssub.s32 $0x2, s3;
	s8 =	sor.u32 s7, s6  }
0xb: {  	_ =	strace $0x80000047;
	s30 =	sshrl.u32 s3, $0x1;
	s6 =	sshrl.u32 s8, $0x3  }
0xc: {  	v0 =	vlaneseq.u32;
	s3 =	ssub.s32 s3, s30;
	s31 =	sshll.u32 s8, $0x9;
	s8 =	sadd.s32 $0x100, s2  }
0xd: {  	v1 =	vshrl.u32 v0, $0x3;
	s7 =	sadd.s32 s0, s6;
	s10 =	sadd.s32 s1, s31;
	s15 =	smax.u32 s3, $0x1  }
0xe: {  	vm0 =	vmmov $0xffff;
	v0 =	vand.u32 $0x7, v0;
	v1 =	vmul.u32 $0x8, v1;
	s12 =	sadd.s32 $0x100000, s10;
	s13 =	sadd.s32 $0x200000, s10;
	s14 =	sadd.s32 $0x300000, s10  }
.LBB2_1:
0xf: {  	[tilespmem:s5], [sflag:$0x4] =	stream.linear.gather [hbm4b:s7+s5], $0x40, $0x38;
	[tilespmem:$0x14080] =	vst v63  }
0x10: {  	_ =	swait.ge [sflag:s16], $0x40  }
0x11: {  	[sflag:s16] =	ssyncset.done $0x0  }
0x12: {  	[sflag:s16] =	ssyncadd.s32 $0xFFFFFFC0  }
0x13: {  	v2 =	vld.msk [tilespmem:$0x0], $0xff;
	_ =	sdelay $0x4  }
0x14: {  	v3 =	vshll.u32 v2, $0x5  }
0x15: {  	v2 =	vand.u32 $0x7, v2;
	v3 =	vand.u32 $0xFFFFFF00, v3  }
0x16: {  	v2 =	vor.u32 v2, v3  }
0x17: {  	v2 =	vperm.xlane v2, v0;
	_ =	sdelay $0x1  }
0x18: {  	v2 =	vadd.s32 v1, v2;
	_ =	sdelay $0x3  }
0x19: {  	s0 =	simm.s32 $0x80  }
0x1a: {  	[tilespmem:s0], [sflag:$0x1] =	stream.indirect_vreg.gather [hbm4b:s2+s5], $0x80, v2, vm0, $0xb8;
	[tilespmem:$0x14080] =	vst v63  }
0x1b: {  	s18 =	simm.s32 $0x880  }
0x1c: {  	[tilespmem:s18], [sflag:$0x1] =	stream.indirect_vreg.gather [hbm4b:s8+s5], $0x80, v2, vm0, $0xb8;
	[tilespmem:$0x14080] =	vst v63  }
0x1d: {  	s19 =	simm.s32 $0x1080  }
0x1e: {  	[tilespmem:s19], [sflag:$0x1] =	stream.indirect_vreg.gather [hbm4b:s9+s5], $0x80, v2, vm0, $0xb8;
	[tilespmem:$0x14080] =	vst v63  }
0x1f: {  	s20 =	simm.s32 $0x1880  }
0x20: {  	[tilespmem:s20], [sflag:$0x1] =	stream.indirect_vreg.gather [hbm4b:s11+s5], $0x80, v2, vm0, $0xb8;
	[tilespmem:$0x14080] =	vst v63  }
0x21: {  	s21 =	simm.s32 $0x4080  }
0x22: {  	[tilespmem:s21], [sflag:$0x2] =	stream.linear.gather [hbm4b:s10+s5], $0x2000, $0x38;
	[tilespmem:$0x14080] =	vst v63  }
0x23: {  	s22 =	simm.s32 $0x6080  }
0x24: {  	[tilespmem:s22], [sflag:$0x2] =	stream.linear.gather [hbm4b:s12+s5], $0x2000, $0x38;
	[tilespmem:$0x14080] =	vst v63  }
0x25: {  	_ = 	snop  }
0x26: {  	[tilespmem:s23], [sflag:$0x2] =	stream.linear.gather [hbm4b:s13+s5], $0x2000, $0x38;
	[tilespmem:$0x14080] =	vst v63  }
0x27: {  	s30 =	simm.s32 $0x0;
	s31 =	simm.s32 $0x0  }
0x28: {  	[tilespmem:s24], [sflag:$0x2] =	stream.linear.gather [hbm4b:s14+s5], $0x2000, $0x38;
	[tilespmem:$0x14080] =	vst v63  }
.LBB2_2:
0x29: {  	s0 =	sand.u32 $0x3, s31  }
0x2a: {  	p1 =	seq.s32 s0, $0x0  }
.Ltmp0:
0x2b: {  	_ = 	snop;
	(pc) =	sbr.rel @!p1 .LBB2_6-.Ltmp0, $2  }
0x2c: {  	_ =	sdelay $0x2  }
0x2d: {  	p0 =	slt.u32 s31, $0x7C;
	s0 =	sshrl.u32 s31, $0x2  }
0x2e: {  	p0 =	slt.u32 s31, $0x7C  }
.Ltmp1:
0x2f: {  	_ = 	snop;
	(pc) =	sbr.rel @!p0 .LBB2_4-.Ltmp1, $4  }
0x30: {  	_ = 	snop  }
0x31: {  	_ =	swait.ge [sflag:s25], $0x2000  }
0x32: {  	[sflag:s25] =	ssyncset.done $0x0  }
0x33: {  	[sflag:s25] =	ssyncadd.s32 $0xFFFFE000  }
0x34: {  	s3 =	sadd.s32 $0x1, s0  }
0x35: {  	s17 =	sshll.u32 s3, $0x1  }
0x36: {  	s17 =	sand.u32 $0x3FFFFFF8, s17  }
0x37: {  	v2 =	vld.msk [tilespmem:s17+$0x0], $0xff;
	_ =	sdelay $0x4  }
0x38: {  	v3 =	vshll.u32 v2, $0x5  }
0x39: {  	v2 =	vand.u32 $0x7, v2;
	v3 =	vand.u32 $0xFFFFFF00, v3  }
0x3a: {  	v2 =	vor.u32 v2, v3  }
0x3b: {  	v2 =	vperm.xlane v2, v0;
	_ =	sdelay $0x1  }
0x3c: {  	v2 =	vadd.s32 v1, v2;
	_ =	sdelay $0x1  }
0x3d: {  	s19 =	sshll.u32 s3, $0xD;
	s3 =	sshll.u32 s3, $0xA  }
0x3e: {  	s3 =	sand.u32 $0xC00, s3;
	s17 =	sand.u32 $0x2000, s19  }
0x3f: {  	s3 =	sadd.s32 s2, s3;
	s18 =	sor.u32 $0x80, s17  }
0x40: {  	[tilespmem:s18], [sflag:$0x1] =	stream.indirect_vreg.gather [hbm4b:s3+s5], $0x80, v2, vm0, $0xb8;
	[tilespmem:$0x14080] =	vst v63  }
0x41: {  	s20 =	sadd.s32 $0x100, s3;
	s19 =	sor.u32 $0x880, s17  }
0x42: {  	[tilespmem:s19], [sflag:$0x1] =	stream.indirect_vreg.gather [hbm4b:s20+s5], $0x80, v2, vm0, $0xb8;
	[tilespmem:$0x14080] =	vst v63  }
0x43: {  	s21 =	sadd.s32 $0x200, s3;
	s22 =	sor.u32 $0x1080, s17  }
0x44: {  	[tilespmem:s22], [sflag:$0x1] =	stream.indirect_vreg.gather [hbm4b:s21+s5], $0x80, v2, vm0, $0xb8;
	[tilespmem:$0x14080] =	vst v63  }
0x45: {  	p0 =	por $0x1, $0x1;
	s17 =	sor.u32 $0x1880, s17;
	s3 =	sadd.s32 $0x300, s3  }
0x46: {  	[tilespmem:s17], [sflag:$0x1] =	stream.indirect_vreg.gather [hbm4b:s3+s5], $0x80, v2, vm0, $0xb8;
	[tilespmem:$0x14080] =	vst v63  }
.LBB2_6:
0x47: {  	p1 =	slt.u32 s31, $0x4  }
.Ltmp2:
0x48: {  	_ = 	snop;
	(pc) =	sbr.rel @p1 .LBB2_8-.Ltmp2, $1  }
0x49: {  	_ =	sdelay $0x3  }
.Ltmp3:
0x4a: {  	(pc) =	sbr.rel @p0 .LBB2_9-.Ltmp3, $4  }
.Ltmp4:
0x4b: {  	(pc) =	sbr.rel @!p0 .LBB2_10-.Ltmp4, $4  }
0x4c: {  	_ =	swait.ge [sflag:s26], $0x2000  }
0x4d: {  	[sflag:s26] =	ssyncset.done $0x0  }
0x4e: {  	[sflag:s26] =	ssyncadd.s32 $0xFFFFE000  }
0x4f: {  	_ = 	snop  }
.LBB2_8:
.Ltmp5:
0x50: {  	(pc) =	sbr.rel @!p0 .LBB2_10-.Ltmp5, $1  }
0x51: {  	_ =	sdelay $0x3  }
.LBB2_9:
0x52: {  	s3 =	sadd.s32 $0x4, s31  }
0x53: {  	s17 =	sshll.u32 s3, $0x17;
	s18 =	sshrl.u32 s3, $0x2;
	s19 =	sshrl.u32 s3, $0x4  }
0x54: {  	s20 =	sshll.u32 s18, $0xD;
	s21 =	sshll.u32 s19, $0xF;
	s18 =	sshll.u32 s18, $0x19  }
0x55: {  	s19 =	sadd.s32 s6, s19;
	s17 =	sadd.s32 s20, s17;
	s18 =	sadd.s32 s18, s21  }
.Ltmp6:
0x56: {  	s19 =	sshll.u32 s19, $0xF;
	s17 =	ssub.s32 s17, s18;
	(pc) =	sbr.rel .LBB2_10-.Ltmp6, $4  }
0x57: {  	s3 =	sshll.u32 s3, $0xD;
	s17 =	sadd.s32 s19, s17  }
0x58: {  	s3 =	sand.u32 $0xE000, s3;
	s17 =	sshrl.u32 s17, $0x3  }
0x59: {  	s3 =	sadd.s32 $0x4080, s3;
	s17 =	sadd.s32 s1, s17  }
0x5a: {  	[tilespmem:s3], [sflag:$0x2] =	stream.linear.gather [hbm4b:s17+s5], $0x2000, $0x38;
	[tilespmem:$0x14080] =	vst v63  }
.LBB2_4:
0x5b: {  	_ =	swait.ge [sflag:s26], $0x2000  }
0x5c: {  	[sflag:s26] =	ssyncset.done $0x0  }
0x5d: {  	[sflag:s26] =	ssyncadd.s32 $0xFFFFE000  }
.LBB2_10:
0x5e: {  	s3 =	sshll.u32 s31, $0xB  }
0x5f: {  	s3 =	sand.u32 $0x2000, s3  }
0x60: {  	s3 =	sor.u32 $0x280, s3  }
0x61: {  	v2 =	vmov s3;
	_ =	sdelay $0x1  }
0x62: {  	_ =	swait.ge [sflag:s28], $0x2000  }
0x63: {  	[sflag:s28] =	ssyncset.done $0x0  }
0x64: {  	s18 =	simm.s32 $0x0;
	[sflag:s28] =	ssyncadd.s32 $0xFFFFE000  }
0x65: {  	v3 =	vld.idx.msk [tilespmem:v2+s18+$0xFFFFFE70 ss:$0x1], $0xffff  }
0x66: {  	v4 =	vld.idx.msk [tilespmem:v2+s18+$0xFFFFFE00 ss:$0x1], $0xffff  }
0x67: {  	v5 =	vld.idx.msk [tilespmem:v2+s18+$0xFFFFFE10 ss:$0x1], $0xffff  }
0x68: {  	v6 =	vld.idx.msk [tilespmem:v2+s18+$0xFFFFFE20 ss:$0x1], $0xffff  }
0x69: {  	s21 =	sand.u32 $0x7, s30;
	v7 =	vld.idx.msk [tilespmem:v2+s18+$0xFFFFFE30 ss:$0x1], $0xffff  }
0x6a: {  	s3 =	sshll.u32 s21, $0xD;
	v8 =	vld.idx.msk [tilespmem:v2+s18+$0xFFFFFE40 ss:$0x1], $0xffff  }
0x6b: {  	s17 =	sadd.s32 $0x4080, s3;
	v9 =	vld.idx.msk [tilespmem:v2+s18+$0xFFFFFE50 ss:$0x1], $0xffff  }
0x6c: {  	s3 =	sadd.s32 $0x0, s17;
	v10 =	vld.idx.msk [tilespmem:v2+s18+$0xFFFFFE60 ss:$0x1], $0xffff  }
0x6d: {  	[tilespmem:s3+$0x70] =	vst.add.f32.msk $0xffff, v3  }
0x6e: {  	[tilespmem:s3+$0x0] =	vst.add.f32.msk $0xffff, v4  }
0x6f: {  	[tilespmem:s3+$0x10] =	vst.add.f32.msk $0xffff, v5  }
0x70: {  	[tilespmem:s3+$0x20] =	vst.add.f32.msk $0xffff, v6  }
0x71: {  	[tilespmem:s3+$0x30] =	vst.add.f32.msk $0xffff, v7  }
0x72: {  	[tilespmem:s3+$0x40] =	vst.add.f32.msk $0xffff, v8  }
0x73: {  	[tilespmem:s3+$0x50] =	vst.add.f32.msk $0xffff, v9  }
0x74: {  	[tilespmem:s3+$0x60] =	vst.add.f32.msk $0xffff, v10  }
0x75: {  	v3 =	vld.idx.msk [tilespmem:v2+s18+$0xFFFFFEF0 ss:$0x1], $0xffff  }
0x76: {  	v4 =	vld.idx.msk [tilespmem:v2+s18+$0xFFFFFE80 ss:$0x1], $0xffff  }
0x77: {  	v5 =	vld.idx.msk [tilespmem:v2+s18+$0xFFFFFE90 ss:$0x1], $0xffff  }
0x78: {  	v6 =	vld.idx.msk [tilespmem:v2+s18+$0xFFFFFEA0 ss:$0x1], $0xffff  }
0x79: {  	v7 =	vld.idx.msk [tilespmem:v2+s18+$0xFFFFFEB0 ss:$0x1], $0xffff  }
0x7a: {  	v8 =	vld.idx.msk [tilespmem:v2+s18+$0xFFFFFEC0 ss:$0x1], $0xffff  }
0x7b: {  	v9 =	vld.idx.msk [tilespmem:v2+s18+$0xFFFFFED0 ss:$0x1], $0xffff  }
0x7c: {  	v10 =	vld.idx.msk [tilespmem:v2+s18+$0xFFFFFEE0 ss:$0x1], $0xffff  }
0x7d: {  	[tilespmem:s3+$0xF0] =	vst.add.f32.msk $0xffff, v3  }
0x7e: {  	[tilespmem:s3+$0x80] =	vst.add.f32.msk $0xffff, v4  }
0x7f: {  	[tilespmem:s3+$0x90] =	vst.add.f32.msk $0xffff, v5  }
0x80: {  	[tilespmem:s3+$0xA0] =	vst.add.f32.msk $0xffff, v6  }
0x81: {  	[tilespmem:s3+$0xB0] =	vst.add.f32.msk $0xffff, v7  }
0x82: {  	[tilespmem:s3+$0xC0] =	vst.add.f32.msk $0xffff, v8  }
0x83: {  	[tilespmem:s3+$0xD0] =	vst.add.f32.msk $0xffff, v9  }
0x84: {  	[tilespmem:s3+$0xE0] =	vst.add.f32.msk $0xffff, v10  }
0x85: {  	v3 =	vld.idx.msk [tilespmem:v2+s18+$0xFFFFFF70 ss:$0x1], $0xffff  }
0x86: {  	v4 =	vld.idx.msk [tilespmem:v2+s18+$0xFFFFFF00 ss:$0x1], $0xffff  }
0x87: {  	v5 =	vld.idx.msk [tilespmem:v2+s18+$0xFFFFFF10 ss:$0x1], $0xffff  }
0x88: {  	v6 =	vld.idx.msk [tilespmem:v2+s18+$0xFFFFFF20 ss:$0x1], $0xffff  }
0x89: {  	v7 =	vld.idx.msk [tilespmem:v2+s18+$0xFFFFFF30 ss:$0x1], $0xffff  }
0x8a: {  	v8 =	vld.idx.msk [tilespmem:v2+s18+$0xFFFFFF40 ss:$0x1], $0xffff  }
0x8b: {  	v9 =	vld.idx.msk [tilespmem:v2+s18+$0xFFFFFF50 ss:$0x1], $0xffff  }
0x8c: {  	v10 =	vld.idx.msk [tilespmem:v2+s18+$0xFFFFFF60 ss:$0x1], $0xffff  }
0x8d: {  	[tilespmem:s3+$0x170] =	vst.add.f32.msk $0xffff, v3  }
0x8e: {  	[tilespmem:s3+$0x100] =	vst.add.f32.msk $0xffff, v4  }
0x8f: {  	[tilespmem:s3+$0x110] =	vst.add.f32.msk $0xffff, v5  }
0x90: {  	[tilespmem:s3+$0x120] =	vst.add.f32.msk $0xffff, v6  }
0x91: {  	[tilespmem:s3+$0x130] =	vst.add.f32.msk $0xffff, v7  }
0x92: {  	[tilespmem:s3+$0x140] =	vst.add.f32.msk $0xffff, v8  }
0x93: {  	[tilespmem:s3+$0x150] =	vst.add.f32.msk $0xffff, v9  }
0x94: {  	[tilespmem:s3+$0x160] =	vst.add.f32.msk $0xffff, v10  }
0x95: {  	v3 =	vld.idx.msk [tilespmem:v2+s18+$0xFFFFFFF0 ss:$0x1], $0xffff  }
0x96: {  	v4 =	vld.idx.msk [tilespmem:v2+s18+$0xFFFFFF90 ss:$0x1], $0xffff  }
0x97: {  	v5 =	vld.idx.msk [tilespmem:v2+s18+$0xFFFFFFA0 ss:$0x1], $0xffff  }
0x98: {  	v56 =	vld.idx.msk [tilespmem:v2+s18+$0xFFFFFFB0 ss:$0x1], $0xffff  }
0x99: {  	v57 =	vld.idx.msk [tilespmem:v2+s18+$0xFFFFFFC0 ss:$0x1], $0xffff  }
0x9a: {  	v58 =	vld.idx.msk [tilespmem:v2+s18+$0xFFFFFFD0 ss:$0x1], $0xffff  }
0x9b: {  	v59 =	vld.idx.msk [tilespmem:v2+s18+$0xFFFFFFE0 ss:$0x1], $0xffff  }
0x9c: {  	[tilespmem:s3+$0x1F0] =	vst.add.f32.msk $0xffff, v3  }
0x9d: {  	[tilespmem:s3+$0x190] =	vst.add.f32.msk $0xffff, v4  }
0x9e: {  	[tilespmem:s3+$0x1A0] =	vst.add.f32.msk $0xffff, v5  }
0x9f: {  	[tilespmem:s3+$0x1B0] =	vst.add.f32.msk $0xffff, v56  }
0xa0: {  	[tilespmem:s3+$0x1C0] =	vst.add.f32.msk $0xffff, v57  }
0xa1: {  	[tilespmem:s3+$0x1D0] =	vst.add.f32.msk $0xffff, v58  }
0xa2: {  	[tilespmem:s3+$0x1E0] =	vst.add.f32.msk $0xffff, v59  }
0xa3: {  	v3 =	vld.idx.msk [tilespmem:v2+s18+$0x70 ss:$0x1], $0xffff  }
0xa4: {  	v4 =	vld.idx.msk [tilespmem:v2+s18+$0x10 ss:$0x1], $0xffff  }
0xa5: {  	v5 =	vld.idx.msk [tilespmem:v2+s18+$0x20 ss:$0x1], $0xffff  }
0xa6: {  	v6 =	vld.idx.msk [tilespmem:v2+s18+$0x30 ss:$0x1], $0xffff  }
0xa7: {  	v7 =	vld.idx.msk [tilespmem:v2+s18+$0x40 ss:$0x1], $0xffff  }
0xa8: {  	v8 =	vld.idx.msk [tilespmem:v2+s18+$0x50 ss:$0x1], $0xffff  }
0xa9: {  	v9 =	vld.idx.msk [tilespmem:v2+s18+$0x60 ss:$0x1], $0xffff  }
0xaa: {  	[tilespmem:s3+$0x270] =	vst.add.f32.msk $0xffff, v3  }
0xab: {  	[tilespmem:s3+$0x210] =	vst.add.f32.msk $0xffff, v4  }
0xac: {  	[tilespmem:s3+$0x220] =	vst.add.f32.msk $0xffff, v5  }
0xad: {  	[tilespmem:s3+$0x230] =	vst.add.f32.msk $0xffff, v6  }
0xae: {  	[tilespmem:s3+$0x240] =	vst.add.f32.msk $0xffff, v7  }
0xaf: {  	[tilespmem:s3+$0x250] =	vst.add.f32.msk $0xffff, v8  }
0xb0: {  	[tilespmem:s3+$0x260] =	vst.add.f32.msk $0xffff, v9  }
0xb1: {  	v3 =	vld.idx.msk [tilespmem:v2+s18+$0xF0 ss:$0x1], $0xffff  }
0xb2: {  	v4 =	vld.idx.msk [tilespmem:v2+s18+$0x90 ss:$0x1], $0xffff  }
0xb3: {  	v5 =	vld.idx.msk [tilespmem:v2+s18+$0xA0 ss:$0x1], $0xffff  }
0xb4: {  	v6 =	vld.idx.msk [tilespmem:v2+s18+$0xB0 ss:$0x1], $0xffff  }
0xb5: {  	v7 =	vld.idx.msk [tilespmem:v2+s18+$0xC0 ss:$0x1], $0xffff  }
0xb6: {  	v8 =	vld.idx.msk [tilespmem:v2+s18+$0xD0 ss:$0x1], $0xffff  }
0xb7: {  	v9 =	vld.idx.msk [tilespmem:v2+s18+$0xE0 ss:$0x1], $0xffff  }
0xb8: {  	[tilespmem:s3+$0x2F0] =	vst.add.f32.msk $0xffff, v3  }
0xb9: {  	[tilespmem:s3+$0x290] =	vst.add.f32.msk $0xffff, v4  }
0xba: {  	v3 =	vld.idx.msk [tilespmem:v2+s18+$0x170 ss:$0x1], $0xffff  }
0xbb: {  	[tilespmem:s3+$0x2A0] =	vst.add.f32.msk $0xffff, v5  }
0xbc: {  	[tilespmem:s3+$0x2B0] =	vst.add.f32.msk $0xffff, v6  }
0xbd: {  	[tilespmem:s3+$0x2C0] =	vst.add.f32.msk $0xffff, v7  }
0xbe: {  	[tilespmem:s3+$0x2D0] =	vst.add.f32.msk $0xffff, v8  }
0xbf: {  	[tilespmem:s3+$0x370] =	vst.add.f32.msk $0xffff, v3  }
0xc0: {  	v3 =	vld.idx.msk [tilespmem:v2+s18+$0x1F0 ss:$0x1], $0xffff  }
0xc1: {  	[tilespmem:s3+$0x2E0] =	vst.add.f32.msk $0xffff, v9  }
0xc2: {  	v4 =	vld.idx.msk [tilespmem:v2+s18+$0x110 ss:$0x1], $0xffff  }
0xc3: {  	v5 =	vld.idx.msk [tilespmem:v2+s18+$0x120 ss:$0x1], $0xffff  }
0xc4: {  	v6 =	vld.idx.msk [tilespmem:v2+s18+$0x130 ss:$0x1], $0xffff  }
0xc5: {  	[tilespmem:s3+$0x3F0] =	vst.add.f32.msk $0xffff, v3  }
0xc6: {  	v3 =	vld.idx.msk [tilespmem:v2+s18+$0xFFFFFF80 ss:$0x1], $0xffff  }
0xc7: {  	v7 =	vld.idx.msk [tilespmem:v2+s18+$0x140 ss:$0x1], $0xffff  }
0xc8: {  	v8 =	vld.idx.msk [tilespmem:v2+s18+$0x150 ss:$0x1], $0xffff  }
0xc9: {  	v9 =	vld.idx.msk [tilespmem:v2+s18+$0x160 ss:$0x1], $0xffff  }
0xca: {  	[tilespmem:s3+$0x310] =	vst.add.f32.msk $0xffff, v4  }
0xcb: {  	[tilespmem:s3+$0x180] =	vst.add.f32.msk $0xffff, v3  }
0xcc: {  	v3 =	vld.idx.msk [tilespmem:v2+s18+$0x0 ss:$0x1], $0xffff  }
0xcd: {  	[tilespmem:s3+$0x320] =	vst.add.f32.msk $0xffff, v5  }
0xce: {  	[tilespmem:s3+$0x330] =	vst.add.f32.msk $0xffff, v6  }
0xcf: {  	[tilespmem:s3+$0x340] =	vst.add.f32.msk $0xffff, v7  }
0xd0: {  	[tilespmem:s3+$0x350] =	vst.add.f32.msk $0xffff, v8  }
0xd1: {  	[tilespmem:s3+$0x200] =	vst.add.f32.msk $0xffff, v3  }
0xd2: {  	v3 =	vld.idx.msk [tilespmem:v2+s18+$0x80 ss:$0x1], $0xffff  }
0xd3: {  	[tilespmem:s3+$0x360] =	vst.add.f32.msk $0xffff, v9  }
0xd4: {  	v5 =	vld.idx.msk [tilespmem:v2+s18+$0x190 ss:$0x1], $0xffff  }
0xd5: {  	v60 =	vld.idx.msk [tilespmem:v2+s18+$0x1A0 ss:$0x1], $0xffff  }
0xd6: {  	v61 =	vld.idx.msk [tilespmem:v2+s18+$0x1B0 ss:$0x1], $0xffff  }
0xd7: {  	[tilespmem:s3+$0x280] =	vst.add.f32.msk $0xffff, v3  }
0xd8: {  	v3 =	vld.idx.msk [tilespmem:v2+s18+$0x100 ss:$0x1], $0xffff  }
0xd9: {  	v62 =	vld.idx.msk [tilespmem:v2+s18+$0x1C0 ss:$0x1], $0xffff  }
0xda: {  	v63 =	vld.idx.msk [tilespmem:v2+s18+$0x1D0 ss:$0x1], $0xffff  }
0xdb: {  	[tilespmem:s3+$0x390] =	vst.add.f32.msk $0xffff, v5  }
0xdc: {  	[tilespmem:s3+$0x3A0] =	vst.add.f32.msk $0xffff, v60  }
0xdd: {  	[tilespmem:s3+$0x300] =	vst.add.f32.msk $0xffff, v3  }
0xde: {  	v4 =	vld.idx.msk [tilespmem:v2+s18+$0x180 ss:$0x1], $0xffff  }
0xdf: {  	v3 =	vld.idx.msk [tilespmem:v2+s18+$0x1E0 ss:$0x1], $0xffff  }
0xe0: {  	[tilespmem:s3+$0x3B0] =	vst.add.f32.msk $0xffff, v61  }
0xe1: {  	s22 =	sshll.u32 s31, $0xD;
	[tilespmem:s3+$0x3C0] =	vst.add.f32.msk $0xffff, v62  }
0xe2: {  	s19 =	sshll.u32 s0, $0xD;
	[tilespmem:s3+$0x3D0] =	vst.add.f32.msk $0xffff, v63;
	s18 =	sand.u32 $0xE000, s22  }
0xe3: {  	s20 =	simm.s32 $0x0;
	s21 =	simm.s32 $0x1000;
	s18 =	sadd.s32 $0x4080, s18;
	[tilespmem:s3+$0x380] =	vst.add.f32.msk $0xffff, v4  }
.LBB2_11:
0xe4: {  	s22 =	sshra.s32 s21, $0x2;
	s20 =	sadd.s32 $0x8, s20;
	[tilespmem:s3+$0x3E0] =	vst.add.f32.msk $0xffff, v3  }
0xe5: {  	v3 =	vld.idx.msk [tilespmem:v2+s22+$0xFFFFFE70 ss:$0x1], $0xffff;
	p0 =	slt.u32 s20, $0x38  }
0xe6: {  	v4 =	vld.idx.msk [tilespmem:v2+s22+$0xFFFFFE00 ss:$0x1], $0xffff  }
0xe7: {  	v5 =	vld.idx.msk [tilespmem:v2+s22+$0xFFFFFE10 ss:$0x1], $0xffff  }
0xe8: {  	v6 =	vld.idx.msk [tilespmem:v2+s22+$0xFFFFFE20 ss:$0x1], $0xffff  }
0xe9: {  	v7 =	vld.idx.msk [tilespmem:v2+s22+$0xFFFFFE30 ss:$0x1], $0xffff  }
0xea: {  	s3 =	sadd.s32 s22, s17;
	v8 =	vld.idx.msk [tilespmem:v2+s22+$0xFFFFFE40 ss:$0x1], $0xffff  }
0xeb: {  	[tilespmem:s3+$0x70] =	vst.add.f32.msk $0xffff, v3  }
0xec: {  	v3 =	vld.idx.msk [tilespmem:v2+s22+$0xFFFFFEF0 ss:$0x1], $0xffff  }
0xed: {  	v9 =	vld.idx.msk [tilespmem:v2+s22+$0xFFFFFE50 ss:$0x1], $0xffff  }
0xee: {  	v10 =	vld.idx.msk [tilespmem:v2+s22+$0xFFFFFE60 ss:$0x1], $0xffff  }
0xef: {  	[tilespmem:s3+$0x0] =	vst.add.f32.msk $0xffff, v4  }
0xf0: {  	[tilespmem:s3+$0x10] =	vst.add.f32.msk $0xffff, v5  }
0xf1: {  	[tilespmem:s3+$0x20] =	vst.add.f32.msk $0xffff, v6  }
0xf2: {  	[tilespmem:s3+$0xF0] =	vst.add.f32.msk $0xffff, v3  }
0xf3: {  	v3 =	vld.idx.msk [tilespmem:v2+s22+$0xFFFFFF70 ss:$0x1], $0xffff  }
0xf4: {  	[tilespmem:s3+$0x30] =	vst.add.f32.msk $0xffff, v7  }
0xf5: {  	[tilespmem:s3+$0x40] =	vst.add.f32.msk $0xffff, v8  }
0xf6: {  	[tilespmem:s3+$0x50] =	vst.add.f32.msk $0xffff, v9  }
0xf7: {  	[tilespmem:s3+$0x60] =	vst.add.f32.msk $0xffff, v10  }
0xf8: {  	v4 =	vld.idx.msk [tilespmem:v2+s22+$0xFFFFFE80 ss:$0x1], $0xffff  }
0xf9: {  	[tilespmem:s3+$0x170] =	vst.add.f32.msk $0xffff, v3  }
0xfa: {  	v3 =	vld.idx.msk [tilespmem:v2+s22+$0xFFFFFFF0 ss:$0x1], $0xffff  }
0xfb: {  	v5 =	vld.idx.msk [tilespmem:v2+s22+$0xFFFFFE90 ss:$0x1], $0xffff  }
0xfc: {  	v6 =	vld.idx.msk [tilespmem:v2+s22+$0xFFFFFEA0 ss:$0x1], $0xffff  }
0xfd: {  	v7 =	vld.idx.msk [tilespmem:v2+s22+$0xFFFFFEB0 ss:$0x1], $0xffff  }
0xfe: {  	v8 =	vld.idx.msk [tilespmem:v2+s22+$0xFFFFFEC0 ss:$0x1], $0xffff  }
0xff: {  	v9 =	vld.idx.msk [tilespmem:v2+s22+$0xFFFFFED0 ss:$0x1], $0xffff  }
0x100: {  	[tilespmem:s3+$0x1F0] =	vst.add.f32.msk $0xffff, v3  }
0x101: {  	v3 =	vld.idx.msk [tilespmem:v2+s22+$0x70 ss:$0x1], $0xffff  }
0x102: {  	v10 =	vld.idx.msk [tilespmem:v2+s22+$0xFFFFFEE0 ss:$0x1], $0xffff  }
0x103: {  	[tilespmem:s3+$0x80] =	vst.add.f32.msk $0xffff, v4  }
0x104: {  	[tilespmem:s3+$0x90] =	vst.add.f32.msk $0xffff, v5  }
0x105: {  	[tilespmem:s3+$0xA0] =	vst.add.f32.msk $0xffff, v6  }
0x106: {  	[tilespmem:s3+$0xB0] =	vst.add.f32.msk $0xffff, v7  }
0x107: {  	[tilespmem:s3+$0x270] =	vst.add.f32.msk $0xffff, v3  }
0x108: {  	v3 =	vld.idx.msk [tilespmem:v2+s22+$0xF0 ss:$0x1], $0xffff  }
0x109: {  	[tilespmem:s3+$0xC0] =	vst.add.f32.msk $0xffff, v8  }
0x10a: {  	[tilespmem:s3+$0xD0] =	vst.add.f32.msk $0xffff, v9  }
0x10b: {  	[tilespmem:s3+$0xE0] =	vst.add.f32.msk $0xffff, v10  }
0x10c: {  	v4 =	vld.idx.msk [tilespmem:v2+s22+$0xFFFFFF00 ss:$0x1], $0xffff  }
0x10d: {  	v5 =	vld.idx.msk [tilespmem:v2+s22+$0xFFFFFF10 ss:$0x1], $0xffff  }
0x10e: {  	[tilespmem:s3+$0x2F0] =	vst.add.f32.msk $0xffff, v3  }
0x10f: {  	v3 =	vld.idx.msk [tilespmem:v2+s22+$0x170 ss:$0x1], $0xffff  }
0x110: {  	v6 =	vld.idx.msk [tilespmem:v2+s22+$0xFFFFFF20 ss:$0x1], $0xffff  }
0x111: {  	v7 =	vld.idx.msk [tilespmem:v2+s22+$0xFFFFFF30 ss:$0x1], $0xffff  }
0x112: {  	v8 =	vld.idx.msk [tilespmem:v2+s22+$0xFFFFFF40 ss:$0x1], $0xffff  }
0x113: {  	v9 =	vld.idx.msk [tilespmem:v2+s22+$0xFFFFFF50 ss:$0x1], $0xffff  }
0x114: {  	v10 =	vld.idx.msk [tilespmem:v2+s22+$0xFFFFFF60 ss:$0x1], $0xffff  }
0x115: {  	[tilespmem:s3+$0x370] =	vst.add.f32.msk $0xffff, v3  }
0x116: {  	v3 =	vld.idx.msk [tilespmem:v2+s22+$0x1F0 ss:$0x1], $0xffff  }
0x117: {  	[tilespmem:s3+$0x100] =	vst.add.f32.msk $0xffff, v4  }
0x118: {  	[tilespmem:s3+$0x110] =	vst.add.f32.msk $0xffff, v5  }
0x119: {  	[tilespmem:s3+$0x120] =	vst.add.f32.msk $0xffff, v6  }
0x11a: {  	[tilespmem:s3+$0x130] =	vst.add.f32.msk $0xffff, v7  }
0x11b: {  	[tilespmem:s3+$0x140] =	vst.add.f32.msk $0xffff, v8  }
0x11c: {  	[tilespmem:s3+$0x3F0] =	vst.add.f32.msk $0xffff, v3  }
0x11d: {  	[tilespmem:s3+$0x150] =	vst.add.f32.msk $0xffff, v9  }
0x11e: {  	[tilespmem:s3+$0x160] =	vst.add.f32.msk $0xffff, v10  }
0x11f: {  	v3 =	vld.idx.msk [tilespmem:v2+s22+$0xFFFFFF80 ss:$0x1], $0xffff  }
0x120: {  	v4 =	vld.idx.msk [tilespmem:v2+s22+$0xFFFFFF90 ss:$0x1], $0xffff  }
0x121: {  	v5 =	vld.idx.msk [tilespmem:v2+s22+$0xFFFFFFA0 ss:$0x1], $0xffff  }
0x122: {  	v6 =	vld.idx.msk [tilespmem:v2+s22+$0xFFFFFFB0 ss:$0x1], $0xffff  }
0x123: {  	v7 =	vld.idx.msk [tilespmem:v2+s22+$0xFFFFFFC0 ss:$0x1], $0xffff  }
0x124: {  	v8 =	vld.idx.msk [tilespmem:v2+s22+$0xFFFFFFD0 ss:$0x1], $0xffff  }
0x125: {  	v9 =	vld.idx.msk [tilespmem:v2+s22+$0xFFFFFFE0 ss:$0x1], $0xffff  }
0x126: {  	[tilespmem:s3+$0x180] =	vst.add.f32.msk $0xffff, v3  }
0x127: {  	[tilespmem:s3+$0x190] =	vst.add.f32.msk $0xffff, v4  }
0x128: {  	[tilespmem:s3+$0x1A0] =	vst.add.f32.msk $0xffff, v5  }
0x129: {  	[tilespmem:s3+$0x1B0] =	vst.add.f32.msk $0xffff, v6  }
0x12a: {  	[tilespmem:s3+$0x1C0] =	vst.add.f32.msk $0xffff, v7  }
0x12b: {  	[tilespmem:s3+$0x1D0] =	vst.add.f32.msk $0xffff, v8  }
0x12c: {  	[tilespmem:s3+$0x1E0] =	vst.add.f32.msk $0xffff, v9  }
0x12d: {  	v3 =	vld.idx.msk [tilespmem:v2+s22+$0x0 ss:$0x1], $0xffff  }
0x12e: {  	v4 =	vld.idx.msk [tilespmem:v2+s22+$0x10 ss:$0x1], $0xffff  }
0x12f: {  	v5 =	vld.idx.msk [tilespmem:v2+s22+$0x20 ss:$0x1], $0xffff  }
0x130: {  	v6 =	vld.idx.msk [tilespmem:v2+s22+$0x30 ss:$0x1], $0xffff  }
0x131: {  	v7 =	vld.idx.msk [tilespmem:v2+s22+$0x40 ss:$0x1], $0xffff  }
0x132: {  	v8 =	vld.idx.msk [tilespmem:v2+s22+$0x50 ss:$0x1], $0xffff  }
0x133: {  	v9 =	vld.idx.msk [tilespmem:v2+s22+$0x60 ss:$0x1], $0xffff  }
0x134: {  	[tilespmem:s3+$0x200] =	vst.add.f32.msk $0xffff, v3  }
0x135: {  	[tilespmem:s3+$0x210] =	vst.add.f32.msk $0xffff, v4  }
0x136: {  	[tilespmem:s3+$0x220] =	vst.add.f32.msk $0xffff, v5  }
0x137: {  	[tilespmem:s3+$0x230] =	vst.add.f32.msk $0xffff, v6  }
0x138: {  	[tilespmem:s3+$0x240] =	vst.add.f32.msk $0xffff, v7  }
0x139: {  	[tilespmem:s3+$0x250] =	vst.add.f32.msk $0xffff, v8  }
0x13a: {  	[tilespmem:s3+$0x260] =	vst.add.f32.msk $0xffff, v9  }
0x13b: {  	v3 =	vld.idx.msk [tilespmem:v2+s22+$0x80 ss:$0x1], $0xffff  }
0x13c: {  	v4 =	vld.idx.msk [tilespmem:v2+s22+$0x90 ss:$0x1], $0xffff  }
0x13d: {  	v5 =	vld.idx.msk [tilespmem:v2+s22+$0xA0 ss:$0x1], $0xffff  }
0x13e: {  	v6 =	vld.idx.msk [tilespmem:v2+s22+$0xB0 ss:$0x1], $0xffff  }
0x13f: {  	v7 =	vld.idx.msk [tilespmem:v2+s22+$0xC0 ss:$0x1], $0xffff  }
0x140: {  	v8 =	vld.idx.msk [tilespmem:v2+s22+$0xD0 ss:$0x1], $0xffff  }
0x141: {  	v9 =	vld.idx.msk [tilespmem:v2+s22+$0xE0 ss:$0x1], $0xffff  }
0x142: {  	[tilespmem:s3+$0x280] =	vst.add.f32.msk $0xffff, v3  }
0x143: {  	[tilespmem:s3+$0x290] =	vst.add.f32.msk $0xffff, v4  }
0x144: {  	[tilespmem:s3+$0x2A0] =	vst.add.f32.msk $0xffff, v5  }
0x145: {  	[tilespmem:s3+$0x2B0] =	vst.add.f32.msk $0xffff, v6  }
0x146: {  	[tilespmem:s3+$0x2C0] =	vst.add.f32.msk $0xffff, v7  }
0x147: {  	[tilespmem:s3+$0x2D0] =	vst.add.f32.msk $0xffff, v8  }
0x148: {  	[tilespmem:s3+$0x2E0] =	vst.add.f32.msk $0xffff, v9  }
0x149: {  	v3 =	vld.idx.msk [tilespmem:v2+s22+$0x100 ss:$0x1], $0xffff  }
0x14a: {  	v4 =	vld.idx.msk [tilespmem:v2+s22+$0x110 ss:$0x1], $0xffff  }
0x14b: {  	v5 =	vld.idx.msk [tilespmem:v2+s22+$0x120 ss:$0x1], $0xffff  }
0x14c: {  	v6 =	vld.idx.msk [tilespmem:v2+s22+$0x130 ss:$0x1], $0xffff  }
0x14d: {  	v7 =	vld.idx.msk [tilespmem:v2+s22+$0x140 ss:$0x1], $0xffff  }
0x14e: {  	v8 =	vld.idx.msk [tilespmem:v2+s22+$0x150 ss:$0x1], $0xffff  }
0x14f: {  	v9 =	vld.idx.msk [tilespmem:v2+s22+$0x160 ss:$0x1], $0xffff  }
0x150: {  	[tilespmem:s3+$0x300] =	vst.add.f32.msk $0xffff, v3  }
0x151: {  	[tilespmem:s3+$0x310] =	vst.add.f32.msk $0xffff, v4  }
0x152: {  	[tilespmem:s3+$0x320] =	vst.add.f32.msk $0xffff, v5  }
0x153: {  	[tilespmem:s3+$0x330] =	vst.add.f32.msk $0xffff, v6  }
0x154: {  	[tilespmem:s3+$0x340] =	vst.add.f32.msk $0xffff, v7  }
0x155: {  	[tilespmem:s3+$0x350] =	vst.add.f32.msk $0xffff, v8  }
0x156: {  	[tilespmem:s3+$0x360] =	vst.add.f32.msk $0xffff, v9  }
0x157: {  	v4 =	vld.idx.msk [tilespmem:v2+s22+$0x180 ss:$0x1], $0xffff  }
0x158: {  	v5 =	vld.idx.msk [tilespmem:v2+s22+$0x190 ss:$0x1], $0xffff  }
0x159: {  	v6 =	vld.idx.msk [tilespmem:v2+s22+$0x1A0 ss:$0x1], $0xffff  }
0x15a: {  	v7 =	vld.idx.msk [tilespmem:v2+s22+$0x1B0 ss:$0x1], $0xffff  }
0x15b: {  	v8 =	vld.idx.msk [tilespmem:v2+s22+$0x1C0 ss:$0x1], $0xffff  }
0x15c: {  	v9 =	vld.idx.msk [tilespmem:v2+s22+$0x1D0 ss:$0x1], $0xffff  }
0x15d: {  	v3 =	vld.idx.msk [tilespmem:v2+s22+$0x1E0 ss:$0x1], $0xffff  }
0x15e: {  	[tilespmem:s3+$0x380] =	vst.add.f32.msk $0xffff, v4  }
.Ltmp7:
0x15f: {  	[tilespmem:s3+$0x390] =	vst.add.f32.msk $0xffff, v5;
	(pc) =	sbr.rel @p0 .LBB2_11-.Ltmp7, $4  }
0x160: {  	[tilespmem:s3+$0x3A0] =	vst.add.f32.msk $0xffff, v6  }
0x161: {  	[tilespmem:s3+$0x3B0] =	vst.add.f32.msk $0xffff, v7  }
0x162: {  	[tilespmem:s3+$0x3C0] =	vst.add.f32.msk $0xffff, v8  }
0x163: {  	s21 =	sadd.s32 $0x1000, s21;
	[tilespmem:s3+$0x3D0] =	vst.add.f32.msk $0xffff, v9  }
0x164: {  	s17 =	sand.u32 $0xC, s31  }
0x165: {  	p0 =	seq.s32 s0, $0x0;
	p1 =	sne.s32 s17, $0x0  }
0x166: {  	p0 =	por !p0, !p1  }
0x167: {  	s0 =	simm.s32 $0x1;
	s20 =	sshll.u32 s31, $0x17;
	p0 =	por !p0, !p0  }
0x168: {  	s22 =	sshrl.u32 s31, $0x4;
	s21 =	sand.u32 $0x1800000, s20;
	s0 =	simm.s32 @!p0 $0x0  }
0x169: {  	s31 =	sadd.s32 $0x1, s31;
	s17 =	sadd.s32 s19, s21;
	s0 =	ssub.s32 s22, s0  }
0x16a: {  	p0 =	sne.s32 s31, $0x80;
	s22 =	sadd.s32 s6, s0;
	s0 =	sshll.u32 s0, $0xF  }
.Ltmp8:
0x16b: {  	s19 =	sshll.u32 s22, $0xF;
	s0 =	ssub.s32 s17, s0;
	(pc) =	sbr.rel @p0 .LBB2_2-.Ltmp8, $4  }
0x16c: {  	s0 =	sadd.s32 s19, s0  }
0x16d: {  	s0 =	sshrl.u32 s0, $0x3  }
0x16e: {  	[tilespmem:s3+$0x3E0] =	vst.add.f32.msk $0xffff, v3;
	s30 =	sadd.s32 $0x1, s30;
	s0 =	sadd.s32 s4, s0  }
0x16f: {  	[hbm4b:s0+s5] =	stream.linear.scatter [tilespmem:s18], [sflag:$0x3], $0x2000, $0x38;
	[tilespmem:$0x14080] =	vst v63  }
0x170: {  	_ =	swait.ge [sflag:s26], $0x2000  }
0x171: {  	[sflag:s26] =	ssyncset.done $0x0  }
0x172: {  	[sflag:s26] =	ssyncadd.s32 $0xFFFFE000  }
0x173: {  	_ =	swait.ge [sflag:s26], $0x2000  }
0x174: {  	[sflag:s26] =	ssyncset.done $0x0  }
0x175: {  	s29 =	sadd.s32 $0x1, s29;
	[sflag:s26] =	ssyncadd.s32 $0xFFFFE000  }
0x176: {  	p0 =	sne.s32 s29, s15;
	_ =	swait.ge [sflag:s26], $0x2000  }
.Ltmp9:
0x177: {  	[sflag:s26] =	ssyncset.done $0x0;
	(pc) =	sbr.rel @p0 .LBB2_1-.Ltmp9, $4  }
0x178: {  	[sflag:s26] =	ssyncadd.s32 $0xFFFFE000  }
0x179: {  	_ =	swait.ge [sflag:s26], $0x2000  }
0x17a: {  	[sflag:s26] =	ssyncset.done $0x0  }
0x17b: {  	[sflag:s26] =	ssyncadd.s32 $0xFFFFE000  }
0x17c: {  	_ =	sfence.sel $0x180000  }
0x17d: {  	[bflag:$0x0] =	sbarrier.arrive $0xFFFF  }
0x17e: {  	_ =	strace $0x90000047  }
0x17f: {  	s0 =	stileid.u32;
	[bflag:$0x2] =	sbarrier.arrive $0xFFFF  }
0x180: {  	p0 =	sne.s32 s0, $0x0;
	s0 =	rddreg [dreg:$0x4]  }
0x181: {  	s0 =	sadd.s32 @!p0 $0x100000, s0  }
0x182: {  	[sflag:s0] =	ssyncadd.tile.s32 @!p0 $0x1;
	_ =	shalt  }
.Lfunc_end2:
_tile_overlayer_lowered:
.L_overlay_start_2:
0x183: {  	(tag) =	ssettag $0x2  }
0x184: {  	s0 =	rddreg [dreg:$0x0];
	s2 =	stileid.u32  }
0x185: {  	s1 =	rddreg [dreg:$0x1];
	p0 =	sne.s32 s2, $0x0  }
0x186: {  	s3 =	rddreg [dreg:$0x2];
	[bflag:$0x3] =	sbarrier.arrive $0xFFFF;
	s2 =	simm.s32 @!p0 $0x1C04  }
0x187: {  	[timem:s3], [sflag:s2] =	dma.local @!p0 [hbm:s0], s1  }
0x188: {  	s0 =	simm.s32 @!p0 $0x4  }
0x189: {  	_ =	swait.ge @!p0 [sflag:s0], s1  }
0x18a: {  	s1 =	ssub.s32 @!p0 $0x0, s1;
	[sflag:s0] =	ssyncset.done @!p0 $0x0  }
0x18b: {  	[sflag:s0] =	ssyncadd.s32 @!p0 s1  }
0x18c: {  	[bflag:$0x3] =	sbarrier.arrive $0xFFFF  }
0x18d: {  	_ =	shalt  }

</sc_bundles>
